<compile_context>
chip_gen: v7x
topology: tpu7x:2x2x1
jax: 0.10.2.dev20260603
libtpu: 0.0.44.dev20260713+nightly
codegen_flags: <defaults>
</compile_context>

<pallas_src>
import functools

import jax
import jax.numpy as jnp
from jax import lax
from jax.experimental import pallas as pl
from jax.experimental.pallas import tpu as pltpu
from jax.experimental.pallas import tpu_sc as plsc

B = 4096
L = 200
N_TOK = B * L
EDIM = 16
TOK_DIM = 64
VOCAB = 1000000
GROWS = B * EDIM // 128

NUM_WORKERS = 32
PER_W = N_TOK // NUM_WORKERS
TBATCH = 128
K_INFLIGHT = 20
GROUP = TBATCH * K_INFLIGHT
NUM_GROUPS = PER_W // GROUP


@functools.cache
def _make_sc_gather():
    mesh = plsc.VectorSubcoreMesh(core_axis_name="c", subcore_axis_name="s")

    @functools.partial(
        pl.kernel,
        mesh=mesh,
        out_type=[
            jax.ShapeDtypeStruct((N_TOK, EDIM), jnp.float32),
            jax.ShapeDtypeStruct((N_TOK, EDIM), jnp.float32),
        ],
        scratch_types=[
            pltpu.VMEM((GROUP,), jnp.int32),
            pltpu.VMEM((GROUP,), jnp.int32),
            pltpu.VMEM((GROUP, EDIM), jnp.float32),
            pltpu.VMEM((GROUP, EDIM), jnp.float32),
            pltpu.SemaphoreType.DMA,
            pltpu.SemaphoreType.DMA,
        ],
        compiler_params=pltpu.CompilerParams(use_tc_tiling_on_sc=False),
    )
    def _sc_gather(ridx_hbm, aidx_hbm, rtab_hbm, atab_hbm, out_r_hbm,
                   out_a_hbm, idxr_v, idxa_v, bufr_v, bufa_v, semr, sema):
        wid = lax.axis_index("s") * 2 + lax.axis_index("c")
        base = wid * PER_W

        def group_body(g, carry):
            goff = base + g * GROUP
            pltpu.sync_copy(ridx_hbm.at[pl.ds(goff, GROUP)], idxr_v)
            pltpu.sync_copy(aidx_hbm.at[pl.ds(goff, GROUP)], idxa_v)
            rcopies = []
            acopies = []
            for t in range(K_INFLIGHT):
                sl = pl.ds(t * TBATCH, TBATCH)
                rcopies.append(
                    pltpu.async_copy(rtab_hbm.at[idxr_v.at[sl]], bufr_v.at[sl],
                                     semr))
                acopies.append(
                    pltpu.async_copy(atab_hbm.at[idxa_v.at[sl]], bufa_v.at[sl],
                                     sema))
            for c in rcopies:
                c.wait()
            pltpu.sync_copy(bufr_v, out_r_hbm.at[pl.ds(goff, GROUP)])
            for c in acopies:
                c.wait()
            pltpu.sync_copy(bufa_v, out_a_hbm.at[pl.ds(goff, GROUP)])
            return carry

        lax.fori_loop(0, NUM_GROUPS, group_body, 0)

    return _sc_gather


def _proj_body(gr_ref, ga_ref, ct_ref, wr_ref, wa_ref, wc_ref, bb_ref,
               o_ref):
    acc = jnp.dot(gr_ref[...], wr_ref[...], preferred_element_type=jnp.float32)
    acc = acc + jnp.dot(ga_ref[...], wa_ref[...],
                        preferred_element_type=jnp.float32)
    acc = acc + jnp.dot(ct_ref[...], wc_ref[...],
                        preferred_element_type=jnp.float32)
    o_ref[...] = acc + bb_ref[...]


def _tc_project(gr128, ga128, ct512, wbd_r, wbd_a, wbd_c, bb):
    return pl.pallas_call(
        _proj_body,
        grid=(L,),
        in_specs=[
            pl.BlockSpec((GROWS, 128), lambda i: (i, 0)),
            pl.BlockSpec((GROWS, 128), lambda i: (i, 0)),
            pl.BlockSpec((GROWS, EDIM), lambda i: (i, 0)),
            pl.BlockSpec((128, 8 * TOK_DIM), lambda i: (0, 0)),
            pl.BlockSpec((128, 8 * TOK_DIM), lambda i: (0, 0)),
            pl.BlockSpec((EDIM, 8 * TOK_DIM), lambda i: (0, 0)),
            pl.BlockSpec((1, 8 * TOK_DIM), lambda i: (0, 0)),
        ],
        out_specs=pl.BlockSpec((GROWS, 8 * TOK_DIM), lambda i: (i, 0)),
        out_shape=jax.ShapeDtypeStruct((L * GROWS, 8 * TOK_DIM), jnp.float32),
        compiler_params=pltpu.CompilerParams(
            dimension_semantics=("arbitrary",),
        ),
    )(gr128, ga128, ct512, wbd_r, wbd_a, wbd_c, bb)


def kernel(x, resp_table, act_table, W, b):
    ridx = x[:, :, 0].T.reshape(N_TOK).astype(jnp.int32)
    aidx = x[:, :, 1].T.reshape(N_TOK).astype(jnp.int32)
    c2 = x[:, :, 2].T.reshape(L, GROWS, 8)
    c3 = x[:, :, 3].T.reshape(L, GROWS, 8)
    ct512 = jnp.stack([c2, c3], axis=-1).reshape(L * GROWS, EDIM)
    gr, ga = _make_sc_gather()(ridx, aidx, resp_table, act_table)
    gr128 = gr.reshape(L * GROWS, 128)
    ga128 = ga.reshape(L * GROWS, 128)
    eye8 = jnp.eye(8, dtype=jnp.float32)
    wbd_r = jnp.kron(eye8, W[0:16])
    wbd_a = jnp.kron(eye8, W[16:32])
    wbd_c = jnp.kron(eye8, W[32:34])
    bb = jnp.tile(b, 8).reshape(1, 8 * TOK_DIM)
    out128 = _tc_project(gr128, ga128, ct512, wbd_r, wbd_a, wbd_c, bb)
    return jnp.transpose(out128.reshape(L, B, TOK_DIM), (1, 0, 2))

# --- scband reference (transcript-rebuilt; emitter-appended) ---
"""Pipeline reference for scband-event-encoder-8546984919188 (READ-ONLY COPY).

The authoritative reference and input builder live on the scoring server;
editing this copy changes nothing except your own understanding.
"""

import jax, jax.numpy as jnp
import numpy as np

RESP_VOCAB = 1000000
ACT_VOCAB = 1000000
RESP_DIM = 16
ACT_DIM = 16
TOK_DIM = 64
B = 4096
L = 200

def setup_inputs(seed: int = 0) -> dict:
    key = jax.random.key(seed)
    k_x, k_rt, k_at, k_w, k_b = jax.random.split(key, 5)
    # x carries integer-valued categorical ids in channels 0,1 and (here also int-valued)
    # continuous features in channels 2,3 -- stored as float32, per input_specs fill=randint.
    x = jax.random.randint(k_x, (B, L, 4), 0, RESP_VOCAB).astype(jnp.float32)
    resp_table = jax.random.normal(k_rt, (RESP_VOCAB, RESP_DIM), dtype=jnp.float32)
    act_table = jax.random.normal(k_at, (ACT_VOCAB, ACT_DIM), dtype=jnp.float32)
    in_dim = RESP_DIM + ACT_DIM + 2
    bound = 1.0 / np.sqrt(in_dim)
    W = jax.random.uniform(k_w, (in_dim, TOK_DIM), minval=-bound, maxval=bound, dtype=jnp.float32)
    b = jax.random.uniform(k_b, (TOK_DIM,), minval=-bound, maxval=bound, dtype=jnp.float32)
    return {"x": x, "resp_table": resp_table, "act_table": act_table, "W": W, "b": b}

def reference(x, resp_table, act_table, W, b):
    response_idx = x[:, :, 0].astype(jnp.int32)
    action_idx = x[:, :, 1].astype(jnp.int32)
    continuous = x[:, :, 2:]
    response_embedded = jnp.take(resp_table, response_idx, axis=0)
    action_embedded = jnp.take(act_table, action_idx, axis=0)
    concatenated = jnp.concatenate([response_embedded, action_embedded, continuous], axis=-1)
    projected = concatenated @ W + b
    return projected

if __name__ == "__main__":
    import jax
    _d = setup_inputs()
    print(jax.jit(kernel)(*tuple(_d.values())))

</pallas_src>

<mosaic_0001>
#map = affine_map<(d0, d1) -> (0)>
#map1 = affine_map<(d0, d1) -> (0, 0)>
module attributes {stable_mosaic.version = 14 : i64} {
  func.func @_sc_gather(%arg0: i32, %arg1: i32, %arg2: memref<819200xi32, #tpu.memory_space<hbm>>, %arg3: memref<819200xi32, #tpu.memory_space<hbm>>, %arg4: memref<1000000x16xf32, #tpu.memory_space<hbm>>, %arg5: memref<1000000x16xf32, #tpu.memory_space<hbm>>, %arg6: memref<819200x16xf32, #tpu.memory_space<hbm>>, %arg7: memref<819200x16xf32, #tpu.memory_space<hbm>>, %arg8: memref<2560xi32, #tpu.memory_space<vmem>>, %arg9: memref<2560xi32, #tpu.memory_space<vmem>>, %arg10: memref<2560x16xf32, #tpu.memory_space<vmem>>, %arg11: memref<2560x16xf32, #tpu.memory_space<vmem>>, %arg12: memref<!tpu.dma_semaphore, #tpu.memory_space<semaphore_mem>>, %arg13: memref<!tpu.dma_semaphore, #tpu.memory_space<semaphore_mem>>) attributes {dimension_semantics = [#tpu.dimension_semantics<core_parallel>, #tpu.dimension_semantics<subcore_parallel>], iteration_bounds = array<i64: 2, 16>, scalar_prefetch = 0 : i64, scratch_operands = 6 : i64, tpu.core_type = #tpu.core_type<sc_vector_subcore>, window_params = [{transform_indices = #map}, {transform_indices = #map}, {transform_indices = #map1}, {transform_indices = #map1}, {transform_indices = #map1}, {transform_indices = #map1}]} {
    %mul3A = arith.constant 2 : i32
    %mul3A_0 = arith.muli %arg1, %mul3A : i32
    %add3A = arith.addi %mul3A_0, %arg0 : i32
    %mul3A_1 = arith.constant 25600 : i32
    %mul3A_2 = arith.muli %add3A, %mul3A_1 : i32
    %scan3A = arith.constant 0 : i32
    %scan3A_3 = arith.constant 0 : i32
    %scan3A_4 = arith.constant 10 : i32
    %scan3A_5 = arith.addi %scan3A_3, %scan3A_4 : i32
    %scan3A_6 = arith.constant 1 : i32
    scf.for %scan3A_8 = %scan3A_3 to %scan3A_5 step %scan3A_6  : i32 {
      %mul3A_9 = arith.constant 2560 : i32
      %mul3A_10 = arith.muli %scan3A_8, %mul3A_9 : i32
      %add3A_11 = arith.addi %mul3A_2, %mul3A_10 : i32
      "tpu.region"() ({
        %run_scoped3A = tpu.sem_alloc : memref<!tpu.dma_semaphore, #tpu.memory_space<semaphore_mem>>
        %dma_start3A_650 = tpu.memref_slice %arg2[%add3A_11] : memref<819200xi32, #tpu.memory_space<hbm>> -> memref<2560xi32, #tpu.memory_space<hbm>>
        %dma_start3A_651 = tpu.memref_slice %arg2[%add3A_11] : memref<819200xi32, #tpu.memory_space<hbm>> -> memref<2560xi32, #tpu.memory_space<hbm>>
        tpu.enqueue_dma source(%dma_start3A_651 : memref<2560xi32, #tpu.memory_space<hbm>>) target(%arg8 : memref<2560xi32, #tpu.memory_space<vmem>>) target_semaphore(%run_scoped3A : memref<!tpu.dma_semaphore, #tpu.memory_space<semaphore_mem>>)
        %dma_wait3A_652 = tpu.memref_slice %arg2[%add3A_11] : memref<819200xi32, #tpu.memory_space<hbm>> -> memref<2560xi32, #tpu.memory_space<hbm>>
        %dma_wait3A_653 = tpu.memref_slice %arg2[%add3A_11] : memref<819200xi32, #tpu.memory_space<hbm>> -> memref<2560xi32, #tpu.memory_space<hbm>>
        tpu.wait_dma2 semaphore(%run_scoped3A : memref<!tpu.dma_semaphore, #tpu.memory_space<semaphore_mem>>) src(%dma_wait3A_653 : memref<2560xi32, #tpu.memory_space<hbm>>) dst(%arg8 : memref<2560xi32, #tpu.memory_space<vmem>>)
        tpu.yield
      }) : () -> ()
      "tpu.region"() ({
        %run_scoped3A = tpu.sem_alloc : memref<!tpu.dma_semaphore, #tpu.memory_space<semaphore_mem>>
        %dma_start3A_650 = tpu.memref_slice %arg3[%add3A_11] : memref<819200xi32, #tpu.memory_space<hbm>> -> memref<2560xi32, #tpu.memory_space<hbm>>
        %dma_start3A_651 = tpu.memref_slice %arg3[%add3A_11] : memref<819200xi32, #tpu.memory_space<hbm>> -> memref<2560xi32, #tpu.memory_space<hbm>>
        tpu.enqueue_dma source(%dma_start3A_651 : memref<2560xi32, #tpu.memory_space<hbm>>) target(%arg9 : memref<2560xi32, #tpu.memory_space<vmem>>) target_semaphore(%run_scoped3A : memref<!tpu.dma_semaphore, #tpu.memory_space<semaphore_mem>>)
        %dma_wait3A_652 = tpu.memref_slice %arg3[%add3A_11] : memref<819200xi32, #tpu.memory_space<hbm>> -> memref<2560xi32, #tpu.memory_space<hbm>>
        %dma_wait3A_653 = tpu.memref_slice %arg3[%add3A_11] : memref<819200xi32, #tpu.memory_space<hbm>> -> memref<2560xi32, #tpu.memory_space<hbm>>
        tpu.wait_dma2 semaphore(%run_scoped3A : memref<!tpu.dma_semaphore, #tpu.memory_space<semaphore_mem>>) src(%dma_wait3A_653 : memref<2560xi32, #tpu.memory_space<hbm>>) dst(%arg9 : memref<2560xi32, #tpu.memory_space<vmem>>)
        tpu.yield
      }) : () -> ()
      %dma_start3A = arith.constant 0 : i32
      %dma_start3A_12 = arith.constant 0 : i32
      %dma_start3A_13 = tpu.memref_slice %arg10[%dma_start3A, %dma_start3A_12] : memref<2560x16xf32, #tpu.memory_space<vmem>> -> memref<128x16xf32, #tpu.memory_space<vmem>>
      %dma_start3A_14 = arith.constant 0 : i32
      %dma_start3A_15 = tpu.memref_slice %arg8[%dma_start3A_14] : memref<2560xi32, #tpu.memory_space<vmem>> -> memref<128xi32, #tpu.memory_space<vmem>>
      %dma_start3A_16 = arith.constant 0 : i32
      %dma_start3A_17 = arith.constant 0 : i32
      %dma_start3A_18 = tpu.memref_slice %arg4[%dma_start3A_16, %dma_start3A_17] : memref<1000000x16xf32, #tpu.memory_space<hbm>> -> memref<1000000x16xf32, #tpu.memory_space<hbm>>
      tpu.enqueue_indirect_dma source(%dma_start3A_18 : memref<1000000x16xf32, #tpu.memory_space<hbm>>) target(%dma_start3A_13 : memref<128x16xf32, #tpu.memory_space<vmem>>) offsets(%dma_start3A_15 : memref<128xi32, #tpu.memory_space<vmem>>) semaphore(%arg12 : memref<!tpu.dma_semaphore, #tpu.memory_space<semaphore_mem>>)
      %dma_start3A_19 = arith.constant 0 : i32
      %dma_start3A_20 = arith.constant 0 : i32
      %dma_start3A_21 = tpu.memref_slice %arg11[%dma_start3A_19, %dma_start3A_20] : memref<2560x16xf32, #tpu.memory_space<vmem>> -> memref<128x16xf32, #tpu.memory_space<vmem>>
      %dma_start3A_22 = arith.constant 0 : i32
      %dma_start3A_23 = tpu.memref_slice %arg9[%dma_start3A_22] : memref<2560xi32, #tpu.memory_space<vmem>> -> memref<128xi32, #tpu.memory_space<vmem>>
      %dma_start3A_24 = arith.constant 0 : i32
      %dma_start3A_25 = arith.constant 0 : i32
      %dma_start3A_26 = tpu.memref_slice %arg5[%dma_start3A_24, %dma_start3A_25] : memref<1000000x16xf32, #tpu.memory_space<hbm>> -> memref<1000000x16xf32, #tpu.memory_space<hbm>>
      tpu.enqueue_indirect_dma source(%dma_start3A_26 : memref<1000000x16xf32, #tpu.memory_space<hbm>>) target(%dma_start3A_21 : memref<128x16xf32, #tpu.memory_space<vmem>>) offsets(%dma_start3A_23 : memref<128xi32, #tpu.memory_space<vmem>>) semaphore(%arg13 : memref<!tpu.dma_semaphore, #tpu.memory_space<semaphore_mem>>)
      %dma_start3A_27 = arith.constant 128 : i32
      %dma_start3A_28 = arith.constant 0 : i32
      %dma_start3A_29 = tpu.memref_slice %arg10[%dma_start3A_27, %dma_start3A_28] : memref<2560x16xf32, #tpu.memory_space<vmem>> -> memref<128x16xf32, #tpu.memory_space<vmem>>
      %dma_start3A_30 = arith.constant 128 : i32
      %dma_start3A_31 = tpu.memref_slice %arg8[%dma_start3A_30] : memref<2560xi32, #tpu.memory_space<vmem>> -> memref<128xi32, #tpu.memory_space<vmem>>
      %dma_start3A_32 = arith.constant 0 : i32
      %dma_start3A_33 = arith.constant 0 : i32
      %dma_start3A_34 = tpu.memref_slice %arg4[%dma_start3A_32, %dma_start3A_33] : memref<1000000x16xf32, #tpu.memory_space<hbm>> -> memref<1000000x16xf32, #tpu.memory_space<hbm>>
      tpu.enqueue_indirect_dma source(%dma_start3A_34 : memref<1000000x16xf32, #tpu.memory_space<hbm>>) target(%dma_start3A_29 : memref<128x16xf32, #tpu.memory_space<vmem>>) offsets(%dma_start3A_31 : memref<128xi32, #tpu.memory_space<vmem>>) semaphore(%arg12 : memref<!tpu.dma_semaphore, #tpu.memory_space<semaphore_mem>>)
      %dma_start3A_35 = arith.constant 128 : i32
      %dma_start3A_36 = arith.constant 0 : i32
      %dma_start3A_37 = tpu.memref_slice %arg11[%dma_start3A_35, %dma_start3A_36] : memref<2560x16xf32, #tpu.memory_space<vmem>> -> memref<128x16xf32, #tpu.memory_space<vmem>>
      %dma_start3A_38 = arith.constant 128 : i32
      %dma_start3A_39 = tpu.memref_slice %arg9[%dma_start3A_38] : memref<2560xi32, #tpu.memory_space<vmem>> -> memref<128xi32, #tpu.memory_space<vmem>>
      %dma_start3A_40 = arith.constant 0 : i32
      %dma_start3A_41 = arith.constant 0 : i32
      %dma_start3A_42 = tpu.memref_slice %arg5[%dma_start3A_40, %dma_start3A_41] : memref<1000000x16xf32, #tpu.memory_space<hbm>> -> memref<1000000x16xf32, #tpu.memory_space<hbm>>
      tpu.enqueue_indirect_dma source(%dma_start3A_42 : memref<1000000x16xf32, #tpu.memory_space<hbm>>) target(%dma_start3A_37 : memref<128x16xf32, #tpu.memory_space<vmem>>) offsets(%dma_start3A_39 : memref<128xi32, #tpu.memory_space<vmem>>) semaphore(%arg13 : memref<!tpu.dma_semaphore, #tpu.memory_space<semaphore_mem>>)
      %dma_start3A_43 = arith.constant 256 : i32
      %dma_start3A_44 = arith.constant 0 : i32
      %dma_start3A_45 = tpu.memref_slice %arg10[%dma_start3A_43, %dma_start3A_44] : memref<2560x16xf32, #tpu.memory_space<vmem>> -> memref<128x16xf32, #tpu.memory_space<vmem>>
      %dma_start3A_46 = arith.constant 256 : i32
      %dma_start3A_47 = tpu.memref_slice %arg8[%dma_start3A_46] : memref<2560xi32, #tpu.memory_space<vmem>> -> memref<128xi32, #tpu.memory_space<vmem>>
      %dma_start3A_48 = arith.constant 0 : i32
      %dma_start3A_49 = arith.constant 0 : i32
      %dma_start3A_50 = tpu.memref_slice %arg4[%dma_start3A_48, %dma_start3A_49] : memref<1000000x16xf32, #tpu.memory_space<hbm>> -> memref<1000000x16xf32, #tpu.memory_space<hbm>>
      tpu.enqueue_indirect_dma source(%dma_start3A_50 : memref<1000000x16xf32, #tpu.memory_space<hbm>>) target(%dma_start3A_45 : memref<128x16xf32, #tpu.memory_space<vmem>>) offsets(%dma_start3A_47 : memref<128xi32, #tpu.memory_space<vmem>>) semaphore(%arg12 : memref<!tpu.dma_semaphore, #tpu.memory_space<semaphore_mem>>)
      %dma_start3A_51 = arith.constant 256 : i32
      %dma_start3A_52 = arith.constant 0 : i32
      %dma_start3A_53 = tpu.memref_slice %arg11[%dma_start3A_51, %dma_start3A_52] : memref<2560x16xf32, #tpu.memory_space<vmem>> -> memref<128x16xf32, #tpu.memory_space<vmem>>
      %dma_start3A_54 = arith.constant 256 : i32
      %dma_start3A_55 = tpu.memref_slice %arg9[%dma_start3A_54] : memref<2560xi32, #tpu.memory_space<vmem>> -> memref<128xi32, #tpu.memory_space<vmem>>
      %dma_start3A_56 = arith.constant 0 : i32
      %dma_start3A_57 = arith.constant 0 : i32
      %dma_start3A_58 = tpu.memref_slice %arg5[%dma_start3A_56, %dma_start3A_57] : memref<1000000x16xf32, #tpu.memory_space<hbm>> -> memref<1000000x16xf32, #tpu.memory_space<hbm>>
      tpu.enqueue_indirect_dma source(%dma_start3A_58 : memref<1000000x16xf32, #tpu.memory_space<hbm>>) target(%dma_start3A_53 : memref<128x16xf32, #tpu.memory_space<vmem>>) offsets(%dma_start3A_55 : memref<128xi32, #tpu.memory_space<vmem>>) semaphore(%arg13 : memref<!tpu.dma_semaphore, #tpu.memory_space<semaphore_mem>>)
      %dma_start3A_59 = arith.constant 384 : i32
      %dma_start3A_60 = arith.constant 0 : i32
      %dma_start3A_61 = tpu.memref_slice %arg10[%dma_start3A_59, %dma_start3A_60] : memref<2560x16xf32, #tpu.memory_space<vmem>> -> memref<128x16xf32, #tpu.memory_space<vmem>>
      %dma_start3A_62 = arith.constant 384 : i32
      %dma_start3A_63 = tpu.memref_slice %arg8[%dma_start3A_62] : memref<2560xi32, #tpu.memory_space<vmem>> -> memref<128xi32, #tpu.memory_space<vmem>>
      %dma_start3A_64 = arith.constant 0 : i32
      %dma_start3A_65 = arith.constant 0 : i32
      %dma_start3A_66 = tpu.memref_slice %arg4[%dma_start3A_64, %dma_start3A_65] : memref<1000000x16xf32, #tpu.memory_space<hbm>> -> memref<1000000x16xf32, #tpu.memory_space<hbm>>
      tpu.enqueue_indirect_dma source(%dma_start3A_66 : memref<1000000x16xf32, #tpu.memory_space<hbm>>) target(%dma_start3A_61 : memref<128x16xf32, #tpu.memory_space<vmem>>) offsets(%dma_start3A_63 : memref<128xi32, #tpu.memory_space<vmem>>) semaphore(%arg12 : memref<!tpu.dma_semaphore, #tpu.memory_space<semaphore_mem>>)
      %dma_start3A_67 = arith.constant 384 : i32
      %dma_start3A_68 = arith.constant 0 : i32
      %dma_start3A_69 = tpu.memref_slice %arg11[%dma_start3A_67, %dma_start3A_68] : memref<2560x16xf32, #tpu.memory_space<vmem>> -> memref<128x16xf32, #tpu.memory_space<vmem>>
      %dma_start3A_70 = arith.constant 384 : i32
      %dma_start3A_71 = tpu.memref_slice %arg9[%dma_start3A_70] : memref<2560xi32, #tpu.memory_space<vmem>> -> memref<128xi32, #tpu.memory_space<vmem>>
      %dma_start3A_72 = arith.constant 0 : i32
      %dma_start3A_73 = arith.constant 0 : i32
      %dma_start3A_74 = tpu.memref_slice %arg5[%dma_start3A_72, %dma_start3A_73] : memref<1000000x16xf32, #tpu.memory_space<hbm>> -> memref<1000000x16xf32, #tpu.memory_space<hbm>>
      tpu.enqueue_indirect_dma source(%dma_start3A_74 : memref<1000000x16xf32, #tpu.memory_space<hbm>>) target(%dma_start3A_69 : memref<128x16xf32, #tpu.memory_space<vmem>>) offsets(%dma_start3A_71 : memref<128xi32, #tpu.memory_space<vmem>>) semaphore(%arg13 : memref<!tpu.dma_semaphore, #tpu.memory_space<semaphore_mem>>)
      %dma_start3A_75 = arith.constant 512 : i32
      %dma_start3A_76 = arith.constant 0 : i32
      %dma_start3A_77 = tpu.memref_slice %arg10[%dma_start3A_75, %dma_start3A_76] : memref<2560x16xf32, #tpu.memory_space<vmem>> -> memref<128x16xf32, #tpu.memory_space<vmem>>
      %dma_start3A_78 = arith.constant 512 : i32
      %dma_start3A_79 = tpu.memref_slice %arg8[%dma_start3A_78] : memref<2560xi32, #tpu.memory_space<vmem>> -> memref<128xi32, #tpu.memory_space<vmem>>
      %dma_start3A_80 = arith.constant 0 : i32
      %dma_start3A_81 = arith.constant 0 : i32
      %dma_start3A_82 = tpu.memref_slice %arg4[%dma_start3A_80, %dma_start3A_81] : memref<1000000x16xf32, #tpu.memory_space<hbm>> -> memref<1000000x16xf32, #tpu.memory_space<hbm>>
      tpu.enqueue_indirect_dma source(%dma_start3A_82 : memref<1000000x16xf32, #tpu.memory_space<hbm>>) target(%dma_start3A_77 : memref<128x16xf32, #tpu.memory_space<vmem>>) offsets(%dma_start3A_79 : memref<128xi32, #tpu.memory_space<vmem>>) semaphore(%arg12 : memref<!tpu.dma_semaphore, #tpu.memory_space<semaphore_mem>>)
      %dma_start3A_83 = arith.constant 512 : i32
      %dma_start3A_84 = arith.constant 0 : i32
      %dma_start3A_85 = tpu.memref_slice %arg11[%dma_start3A_83, %dma_start3A_84] : memref<2560x16xf32, #tpu.memory_space<vmem>> -> memref<128x16xf32, #tpu.memory_space<vmem>>
      %dma_start3A_86 = arith.constant 512 : i32
      %dma_start3A_87 = tpu.memref_slice %arg9[%dma_start3A_86] : memref<2560xi32, #tpu.memory_space<vmem>> -> memref<128xi32, #tpu.memory_space<vmem>>
      %dma_start3A_88 = arith.constant 0 : i32
      %dma_start3A_89 = arith.constant 0 : i32
      %dma_start3A_90 = tpu.memref_slice %arg5[%dma_start3A_88, %dma_start3A_89] : memref<1000000x16xf32, #tpu.memory_space<hbm>> -> memref<1000000x16xf32, #tpu.memory_space<hbm>>
      tpu.enqueue_indirect_dma source(%dma_start3A_90 : memref<1000000x16xf32, #tpu.memory_space<hbm>>) target(%dma_start3A_85 : memref<128x16xf32, #tpu.memory_space<vmem>>) offsets(%dma_start3A_87 : memref<128xi32, #tpu.memory_space<vmem>>) semaphore(%arg13 : memref<!tpu.dma_semaphore, #tpu.memory_space<semaphore_mem>>)
      %dma_start3A_91 = arith.constant 640 : i32
      %dma_start3A_92 = arith.constant 0 : i32
      %dma_start3A_93 = tpu.memref_slice %arg10[%dma_start3A_91, %dma_start3A_92] : memref<2560x16xf32, #tpu.memory_space<vmem>> -> memref<128x16xf32, #tpu.memory_space<vmem>>
      %dma_start3A_94 = arith.constant 640 : i32
      %dma_start3A_95 = tpu.memref_slice %arg8[%dma_start3A_94] : memref<2560xi32, #tpu.memory_space<vmem>> -> memref<128xi32, #tpu.memory_space<vmem>>
      %dma_start3A_96 = arith.constant 0 : i32
      %dma_start3A_97 = arith.constant 0 : i32
      %dma_start3A_98 = tpu.memref_slice %arg4[%dma_start3A_96, %dma_start3A_97] : memref<1000000x16xf32, #tpu.memory_space<hbm>> -> memref<1000000x16xf32, #tpu.memory_space<hbm>>
      tpu.enqueue_indirect_dma source(%dma_start3A_98 : memref<1000000x16xf32, #tpu.memory_space<hbm>>) target(%dma_start3A_93 : memref<128x16xf32, #tpu.memory_space<vmem>>) offsets(%dma_start3A_95 : memref<128xi32, #tpu.memory_space<vmem>>) semaphore(%arg12 : memref<!tpu.dma_semaphore, #tpu.memory_space<semaphore_mem>>)
      %dma_start3A_99 = arith.constant 640 : i32
      %dma_start3A_100 = arith.constant 0 : i32
      %dma_start3A_101 = tpu.memref_slice %arg11[%dma_start3A_99, %dma_start3A_100] : memref<2560x16xf32, #tpu.memory_space<vmem>> -> memref<128x16xf32, #tpu.memory_space<vmem>>
      %dma_start3A_102 = arith.constant 640 : i32
      %dma_start3A_103 = tpu.memref_slice %arg9[%dma_start3A_102] : memref<2560xi32, #tpu.memory_space<vmem>> -> memref<128xi32, #tpu.memory_space<vmem>>
      %dma_start3A_104 = arith.constant 0 : i32
      %dma_start3A_105 = arith.constant 0 : i32
      %dma_start3A_106 = tpu.memref_slice %arg5[%dma_start3A_104, %dma_start3A_105] : memref<1000000x16xf32, #tpu.memory_space<hbm>> -> memref<1000000x16xf32, #tpu.memory_space<hbm>>
      tpu.enqueue_indirect_dma source(%dma_start3A_106 : memref<1000000x16xf32, #tpu.memory_space<hbm>>) target(%dma_start3A_101 : memref<128x16xf32, #tpu.memory_space<vmem>>) offsets(%dma_start3A_103 : memref<128xi32, #tpu.memory_space<vmem>>) semaphore(%arg13 : memref<!tpu.dma_semaphore, #tpu.memory_space<semaphore_mem>>)
      %dma_start3A_107 = arith.constant 768 : i32
      %dma_start3A_108 = arith.constant 0 : i32
      %dma_start3A_109 = tpu.memref_slice %arg10[%dma_start3A_107, %dma_start3A_108] : memref<2560x16xf32, #tpu.memory_space<vmem>> -> memref<128x16xf32, #tpu.memory_space<vmem>>
      %dma_start3A_110 = arith.constant 768 : i32
      %dma_start3A_111 = tpu.memref_slice %arg8[%dma_start3A_110] : memref<2560xi32, #tpu.memory_space<vmem>> -> memref<128xi32, #tpu.memory_space<vmem>>
      %dma_start3A_112 = arith.constant 0 : i32
      %dma_start3A_113 = arith.constant 0 : i32
      %dma_start3A_114 = tpu.memref_slice %arg4[%dma_start3A_112, %dma_start3A_113] : memref<1000000x16xf32, #tpu.memory_space<hbm>> -> memref<1000000x16xf32, #tpu.memory_space<hbm>>
      tpu.enqueue_indirect_dma source(%dma_start3A_114 : memref<1000000x16xf32, #tpu.memory_space<hbm>>) target(%dma_start3A_109 : memref<128x16xf32, #tpu.memory_space<vmem>>) offsets(%dma_start3A_111 : memref<128xi32, #tpu.memory_space<vmem>>) semaphore(%arg12 : memref<!tpu.dma_semaphore, #tpu.memory_space<semaphore_mem>>)
      %dma_start3A_115 = arith.constant 768 : i32
      %dma_start3A_116 = arith.constant 0 : i32
      %dma_start3A_117 = tpu.memref_slice %arg11[%dma_start3A_115, %dma_start3A_116] : memref<2560x16xf32, #tpu.memory_space<vmem>> -> memref<128x16xf32, #tpu.memory_space<vmem>>
      %dma_start3A_118 = arith.constant 768 : i32
      %dma_start3A_119 = tpu.memref_slice %arg9[%dma_start3A_118] : memref<2560xi32, #tpu.memory_space<vmem>> -> memref<128xi32, #tpu.memory_space<vmem>>
      %dma_start3A_120 = arith.constant 0 : i32
      %dma_start3A_121 = arith.constant 0 : i32
      %dma_start3A_122 = tpu.memref_slice %arg5[%dma_start3A_120, %dma_start3A_121] : memref<1000000x16xf32, #tpu.memory_space<hbm>> -> memref<1000000x16xf32, #tpu.memory_space<hbm>>
      tpu.enqueue_indirect_dma source(%dma_start3A_122 : memref<1000000x16xf32, #tpu.memory_space<hbm>>) target(%dma_start3A_117 : memref<128x16xf32, #tpu.memory_space<vmem>>) offsets(%dma_start3A_119 : memref<128xi32, #tpu.memory_space<vmem>>) semaphore(%arg13 : memref<!tpu.dma_semaphore, #tpu.memory_space<semaphore_mem>>)
      %dma_start3A_123 = arith.constant 896 : i32
      %dma_start3A_124 = arith.constant 0 : i32
      %dma_start3A_125 = tpu.memref_slice %arg10[%dma_start3A_123, %dma_start3A_124] : memref<2560x16xf32, #tpu.memory_space<vmem>> -> memref<128x16xf32, #tpu.memory_space<vmem>>
      %dma_start3A_126 = arith.constant 896 : i32
      %dma_start3A_127 = tpu.memref_slice %arg8[%dma_start3A_126] : memref<2560xi32, #tpu.memory_space<vmem>> -> memref<128xi32, #tpu.memory_space<vmem>>
      %dma_start3A_128 = arith.constant 0 : i32
      %dma_start3A_129 = arith.constant 0 : i32
      %dma_start3A_130 = tpu.memref_slice %arg4[%dma_start3A_128, %dma_start3A_129] : memref<1000000x16xf32, #tpu.memory_space<hbm>> -> memref<1000000x16xf32, #tpu.memory_space<hbm>>
      tpu.enqueue_indirect_dma source(%dma_start3A_130 : memref<1000000x16xf32, #tpu.memory_space<hbm>>) target(%dma_start3A_125 : memref<128x16xf32, #tpu.memory_space<vmem>>) offsets(%dma_start3A_127 : memref<128xi32, #tpu.memory_space<vmem>>) semaphore(%arg12 : memref<!tpu.dma_semaphore, #tpu.memory_space<semaphore_mem>>)
      %dma_start3A_131 = arith.constant 896 : i32
      %dma_start3A_132 = arith.constant 0 : i32
      %dma_start3A_133 = tpu.memref_slice %arg11[%dma_start3A_131, %dma_start3A_132] : memref<2560x16xf32, #tpu.memory_space<vmem>> -> memref<128x16xf32, #tpu.memory_space<vmem>>
      %dma_start3A_134 = arith.constant 896 : i32
      %dma_start3A_135 = tpu.memref_slice %arg9[%dma_start3A_134] : memref<2560xi32, #tpu.memory_space<vmem>> -> memref<128xi32, #tpu.memory_space<vmem>>
      %dma_start3A_136 = arith.constant 0 : i32
      %dma_start3A_137 = arith.constant 0 : i32
      %dma_start3A_138 = tpu.memref_slice %arg5[%dma_start3A_136, %dma_start3A_137] : memref<1000000x16xf32, #tpu.memory_space<hbm>> -> memref<1000000x16xf32, #tpu.memory_space<hbm>>
      tpu.enqueue_indirect_dma source(%dma_start3A_138 : memref<1000000x16xf32, #tpu.memory_space<hbm>>) target(%dma_start3A_133 : memref<128x16xf32, #tpu.memory_space<vmem>>) offsets(%dma_start3A_135 : memref<128xi32, #tpu.memory_space<vmem>>) semaphore(%arg13 : memref<!tpu.dma_semaphore, #tpu.memory_space<semaphore_mem>>)
      %dma_start3A_139 = arith.constant 1024 : i32
      %dma_start3A_140 = arith.constant 0 : i32
      %dma_start3A_141 = tpu.memref_slice %arg10[%dma_start3A_139, %dma_start3A_140] : memref<2560x16xf32, #tpu.memory_space<vmem>> -> memref<128x16xf32, #tpu.memory_space<vmem>>
      %dma_start3A_142 = arith.constant 1024 : i32
      %dma_start3A_143 = tpu.memref_slice %arg8[%dma_start3A_142] : memref<2560xi32, #tpu.memory_space<vmem>> -> memref<128xi32, #tpu.memory_space<vmem>>
      %dma_start3A_144 = arith.constant 0 : i32
      %dma_start3A_145 = arith.constant 0 : i32
      %dma_start3A_146 = tpu.memref_slice %arg4[%dma_start3A_144, %dma_start3A_145] : memref<1000000x16xf32, #tpu.memory_space<hbm>> -> memref<1000000x16xf32, #tpu.memory_space<hbm>>
      tpu.enqueue_indirect_dma source(%dma_start3A_146 : memref<1000000x16xf32, #tpu.memory_space<hbm>>) target(%dma_start3A_141 : memref<128x16xf32, #tpu.memory_space<vmem>>) offsets(%dma_start3A_143 : memref<128xi32, #tpu.memory_space<vmem>>) semaphore(%arg12 : memref<!tpu.dma_semaphore, #tpu.memory_space<semaphore_mem>>)
      %dma_start3A_147 = arith.constant 1024 : i32
      %dma_start3A_148 = arith.constant 0 : i32
      %dma_start3A_149 = tpu.memref_slice %arg11[%dma_start3A_147, %dma_start3A_148] : memref<2560x16xf32, #tpu.memory_space<vmem>> -> memref<128x16xf32, #tpu.memory_space<vmem>>
      %dma_start3A_150 = arith.constant 1024 : i32
      %dma_start3A_151 = tpu.memref_slice %arg9[%dma_start3A_150] : memref<2560xi32, #tpu.memory_space<vmem>> -> memref<128xi32, #tpu.memory_space<vmem>>
      %dma_start3A_152 = arith.constant 0 : i32
      %dma_start3A_153 = arith.constant 0 : i32
      %dma_start3A_154 = tpu.memref_slice %arg5[%dma_start3A_152, %dma_start3A_153] : memref<1000000x16xf32, #tpu.memory_space<hbm>> -> memref<1000000x16xf32, #tpu.memory_space<hbm>>
      tpu.enqueue_indirect_dma source(%dma_start3A_154 : memref<1000000x16xf32, #tpu.memory_space<hbm>>) target(%dma_start3A_149 : memref<128x16xf32, #tpu.memory_space<vmem>>) offsets(%dma_start3A_151 : memref<128xi32, #tpu.memory_space<vmem>>) semaphore(%arg13 : memref<!tpu.dma_semaphore, #tpu.memory_space<semaphore_mem>>)
      %dma_start3A_155 = arith.constant 1152 : i32
      %dma_start3A_156 = arith.constant 0 : i32
      %dma_start3A_157 = tpu.memref_slice %arg10[%dma_start3A_155, %dma_start3A_156] : memref<2560x16xf32, #tpu.memory_space<vmem>> -> memref<128x16xf32, #tpu.memory_space<vmem>>
      %dma_start3A_158 = arith.constant 1152 : i32
      %dma_start3A_159 = tpu.memref_slice %arg8[%dma_start3A_158] : memref<2560xi32, #tpu.memory_space<vmem>> -> memref<128xi32, #tpu.memory_space<vmem>>
      %dma_start3A_160 = arith.constant 0 : i32
      %dma_start3A_161 = arith.constant 0 : i32
      %dma_start3A_162 = tpu.memref_slice %arg4[%dma_start3A_160, %dma_start3A_161] : memref<1000000x16xf32, #tpu.memory_space<hbm>> -> memref<1000000x16xf32, #tpu.memory_space<hbm>>
      tpu.enqueue_indirect_dma source(%dma_start3A_162 : memref<1000000x16xf32, #tpu.memory_space<hbm>>) target(%dma_start3A_157 : memref<128x16xf32, #tpu.memory_space<vmem>>) offsets(%dma_start3A_159 : memref<128xi32, #tpu.memory_space<vmem>>) semaphore(%arg12 : memref<!tpu.dma_semaphore, #tpu.memory_space<semaphore_mem>>)
      %dma_start3A_163 = arith.constant 1152 : i32
      %dma_start3A_164 = arith.constant 0 : i32
      %dma_start3A_165 = tpu.memref_slice %arg11[%dma_start3A_163, %dma_start3A_164] : memref<2560x16xf32, #tpu.memory_space<vmem>> -> memref<128x16xf32, #tpu.memory_space<vmem>>
      %dma_start3A_166 = arith.constant 1152 : i32
      %dma_start3A_167 = tpu.memref_slice %arg9[%dma_start3A_166] : memref<2560xi32, #tpu.memory_space<vmem>> -> memref<128xi32, #tpu.memory_space<vmem>>
      %dma_start3A_168 = arith.constant 0 : i32
      %dma_start3A_169 = arith.constant 0 : i32
      %dma_start3A_170 = tpu.memref_slice %arg5[%dma_start3A_168, %dma_start3A_169] : memref<1000000x16xf32, #tpu.memory_space<hbm>> -> memref<1000000x16xf32, #tpu.memory_space<hbm>>
      tpu.enqueue_indirect_dma source(%dma_start3A_170 : memref<1000000x16xf32, #tpu.memory_space<hbm>>) target(%dma_start3A_165 : memref<128x16xf32, #tpu.memory_space<vmem>>) offsets(%dma_start3A_167 : memref<128xi32, #tpu.memory_space<vmem>>) semaphore(%arg13 : memref<!tpu.dma_semaphore, #tpu.memory_space<semaphore_mem>>)
      %dma_start3A_171 = arith.constant 1280 : i32
      %dma_start3A_172 = arith.constant 0 : i32
      %dma_start3A_173 = tpu.memref_slice %arg10[%dma_start3A_171, %dma_start3A_172] : memref<2560x16xf32, #tpu.memory_space<vmem>> -> memref<128x16xf32, #tpu.memory_space<vmem>>
      %dma_start3A_174 = arith.constant 1280 : i32
      %dma_start3A_175 = tpu.memref_slice %arg8[%dma_start3A_174] : memref<2560xi32, #tpu.memory_space<vmem>> -> memref<128xi32, #tpu.memory_space<vmem>>
      %dma_start3A_176 = arith.constant 0 : i32
      %dma_start3A_177 = arith.constant 0 : i32
      %dma_start3A_178 = tpu.memref_slice %arg4[%dma_start3A_176, %dma_start3A_177] : memref<1000000x16xf32, #tpu.memory_space<hbm>> -> memref<1000000x16xf32, #tpu.memory_space<hbm>>
      tpu.enqueue_indirect_dma source(%dma_start3A_178 : memref<1000000x16xf32, #tpu.memory_space<hbm>>) target(%dma_start3A_173 : memref<128x16xf32, #tpu.memory_space<vmem>>) offsets(%dma_start3A_175 : memref<128xi32, #tpu.memory_space<vmem>>) semaphore(%arg12 : memref<!tpu.dma_semaphore, #tpu.memory_space<semaphore_mem>>)
      %dma_start3A_179 = arith.constant 1280 : i32
      %dma_start3A_180 = arith.constant 0 : i32
      %dma_start3A_181 = tpu.memref_slice %arg11[%dma_start3A_179, %dma_start3A_180] : memref<2560x16xf32, #tpu.memory_space<vmem>> -> memref<128x16xf32, #tpu.memory_space<vmem>>
      %dma_start3A_182 = arith.constant 1280 : i32
      %dma_start3A_183 = tpu.memref_slice %arg9[%dma_start3A_182] : memref<2560xi32, #tpu.memory_space<vmem>> -> memref<128xi32, #tpu.memory_space<vmem>>
      %dma_start3A_184 = arith.constant 0 : i32
      %dma_start3A_185 = arith.constant 0 : i32
      %dma_start3A_186 = tpu.memref_slice %arg5[%dma_start3A_184, %dma_start3A_185] : memref<1000000x16xf32, #tpu.memory_space<hbm>> -> memref<1000000x16xf32, #tpu.memory_space<hbm>>
      tpu.enqueue_indirect_dma source(%dma_start3A_186 : memref<1000000x16xf32, #tpu.memory_space<hbm>>) target(%dma_start3A_181 : memref<128x16xf32, #tpu.memory_space<vmem>>) offsets(%dma_start3A_183 : memref<128xi32, #tpu.memory_space<vmem>>) semaphore(%arg13 : memref<!tpu.dma_semaphore, #tpu.memory_space<semaphore_mem>>)
      %dma_start3A_187 = arith.constant 1408 : i32
      %dma_start3A_188 = arith.constant 0 : i32
      %dma_start3A_189 = tpu.memref_slice %arg10[%dma_start3A_187, %dma_start3A_188] : memref<2560x16xf32, #tpu.memory_space<vmem>> -> memref<128x16xf32, #tpu.memory_space<vmem>>
      %dma_start3A_190 = arith.constant 1408 : i32
      %dma_start3A_191 = tpu.memref_slice %arg8[%dma_start3A_190] : memref<2560xi32, #tpu.memory_space<vmem>> -> memref<128xi32, #tpu.memory_space<vmem>>
      %dma_start3A_192 = arith.constant 0 : i32
      %dma_start3A_193 = arith.constant 0 : i32
      %dma_start3A_194 = tpu.memref_slice %arg4[%dma_start3A_192, %dma_start3A_193] : memref<1000000x16xf32, #tpu.memory_space<hbm>> -> memref<1000000x16xf32, #tpu.memory_space<hbm>>
      tpu.enqueue_indirect_dma source(%dma_start3A_194 : memref<1000000x16xf32, #tpu.memory_space<hbm>>) target(%dma_start3A_189 : memref<128x16xf32, #tpu.memory_space<vmem>>) offsets(%dma_start3A_191 : memref<128xi32, #tpu.memory_space<vmem>>) semaphore(%arg12 : memref<!tpu.dma_semaphore, #tpu.memory_space<semaphore_mem>>)
      %dma_start3A_195 = arith.constant 1408 : i32
      %dma_start3A_196 = arith.constant 0 : i32
      %dma_start3A_197 = tpu.memref_slice %arg11[%dma_start3A_195, %dma_start3A_196] : memref<2560x16xf32, #tpu.memory_space<vmem>> -> memref<128x16xf32, #tpu.memory_space<vmem>>
      %dma_start3A_198 = arith.constant 1408 : i32
      %dma_start3A_199 = tpu.memref_slice %arg9[%dma_start3A_198] : memref<2560xi32, #tpu.memory_space<vmem>> -> memref<128xi32, #tpu.memory_space<vmem>>
      %dma_start3A_200 = arith.constant 0 : i32
      %dma_start3A_201 = arith.constant 0 : i32
      %dma_start3A_202 = tpu.memref_slice %arg5[%dma_start3A_200, %dma_start3A_201] : memref<1000000x16xf32, #tpu.memory_space<hbm>> -> memref<1000000x16xf32, #tpu.memory_space<hbm>>
      tpu.enqueue_indirect_dma source(%dma_start3A_202 : memref<1000000x16xf32, #tpu.memory_space<hbm>>) target(%dma_start3A_197 : memref<128x16xf32, #tpu.memory_space<vmem>>) offsets(%dma_start3A_199 : memref<128xi32, #tpu.memory_space<vmem>>) semaphore(%arg13 : memref<!tpu.dma_semaphore, #tpu.memory_space<semaphore_mem>>)
      %dma_start3A_203 = arith.constant 1536 : i32
      %dma_start3A_204 = arith.constant 0 : i32
      %dma_start3A_205 = tpu.memref_slice %arg10[%dma_start3A_203, %dma_start3A_204] : memref<2560x16xf32, #tpu.memory_space<vmem>> -> memref<128x16xf32, #tpu.memory_space<vmem>>
      %dma_start3A_206 = arith.constant 1536 : i32
      %dma_start3A_207 = tpu.memref_slice %arg8[%dma_start3A_206] : memref<2560xi32, #tpu.memory_space<vmem>> -> memref<128xi32, #tpu.memory_space<vmem>>
      %dma_start3A_208 = arith.constant 0 : i32
      %dma_start3A_209 = arith.constant 0 : i32
      %dma_start3A_210 = tpu.memref_slice %arg4[%dma_start3A_208, %dma_start3A_209] : memref<1000000x16xf32, #tpu.memory_space<hbm>> -> memref<1000000x16xf32, #tpu.memory_space<hbm>>
      tpu.enqueue_indirect_dma source(%dma_start3A_210 : memref<1000000x16xf32, #tpu.memory_space<hbm>>) target(%dma_start3A_205 : memref<128x16xf32, #tpu.memory_space<vmem>>) offsets(%dma_start3A_207 : memref<128xi32, #tpu.memory_space<vmem>>) semaphore(%arg12 : memref<!tpu.dma_semaphore, #tpu.memory_space<semaphore_mem>>)
      %dma_start3A_211 = arith.constant 1536 : i32
      %dma_start3A_212 = arith.constant 0 : i32
      %dma_start3A_213 = tpu.memref_slice %arg11[%dma_start3A_211, %dma_start3A_212] : memref<2560x16xf32, #tpu.memory_space<vmem>> -> memref<128x16xf32, #tpu.memory_space<vmem>>
      %dma_start3A_214 = arith.constant 1536 : i32
      %dma_start3A_215 = tpu.memref_slice %arg9[%dma_start3A_214] : memref<2560xi32, #tpu.memory_space<vmem>> -> memref<128xi32, #tpu.memory_space<vmem>>
      %dma_start3A_216 = arith.constant 0 : i32
      %dma_start3A_217 = arith.constant 0 : i32
      %dma_start3A_218 = tpu.memref_slice %arg5[%dma_start3A_216, %dma_start3A_217] : memref<1000000x16xf32, #tpu.memory_space<hbm>> -> memref<1000000x16xf32, #tpu.memory_space<hbm>>
      tpu.enqueue_indirect_dma source(%dma_start3A_218 : memref<1000000x16xf32, #tpu.memory_space<hbm>>) target(%dma_start3A_213 : memref<128x16xf32, #tpu.memory_space<vmem>>) offsets(%dma_start3A_215 : memref<128xi32, #tpu.memory_space<vmem>>) semaphore(%arg13 : memref<!tpu.dma_semaphore, #tpu.memory_space<semaphore_mem>>)
      %dma_start3A_219 = arith.constant 1664 : i32
      %dma_start3A_220 = arith.constant 0 : i32
      %dma_start3A_221 = tpu.memref_slice %arg10[%dma_start3A_219, %dma_start3A_220] : memref<2560x16xf32, #tpu.memory_space<vmem>> -> memref<128x16xf32, #tpu.memory_space<vmem>>
      %dma_start3A_222 = arith.constant 1664 : i32
      %dma_start3A_223 = tpu.memref_slice %arg8[%dma_start3A_222] : memref<2560xi32, #tpu.memory_space<vmem>> -> memref<128xi32, #tpu.memory_space<vmem>>
      %dma_start3A_224 = arith.constant 0 : i32
      %dma_start3A_225 = arith.constant 0 : i32
      %dma_start3A_226 = tpu.memref_slice %arg4[%dma_start3A_224, %dma_start3A_225] : memref<1000000x16xf32, #tpu.memory_space<hbm>> -> memref<1000000x16xf32, #tpu.memory_space<hbm>>
      tpu.enqueue_indirect_dma source(%dma_start3A_226 : memref<1000000x16xf32, #tpu.memory_space<hbm>>) target(%dma_start3A_221 : memref<128x16xf32, #tpu.memory_space<vmem>>) offsets(%dma_start3A_223 : memref<128xi32, #tpu.memory_space<vmem>>) semaphore(%arg12 : memref<!tpu.dma_semaphore, #tpu.memory_space<semaphore_mem>>)
      %dma_start3A_227 = arith.constant 1664 : i32
      %dma_start3A_228 = arith.constant 0 : i32
      %dma_start3A_229 = tpu.memref_slice %arg11[%dma_start3A_227, %dma_start3A_228] : memref<2560x16xf32, #tpu.memory_space<vmem>> -> memref<128x16xf32, #tpu.memory_space<vmem>>
      %dma_start3A_230 = arith.constant 1664 : i32
      %dma_start3A_231 = tpu.memref_slice %arg9[%dma_start3A_230] : memref<2560xi32, #tpu.memory_space<vmem>> -> memref<128xi32, #tpu.memory_space<vmem>>
      %dma_start3A_232 = arith.constant 0 : i32
      %dma_start3A_233 = arith.constant 0 : i32
      %dma_start3A_234 = tpu.memref_slice %arg5[%dma_start3A_232, %dma_start3A_233] : memref<1000000x16xf32, #tpu.memory_space<hbm>> -> memref<1000000x16xf32, #tpu.memory_space<hbm>>
      tpu.enqueue_indirect_dma source(%dma_start3A_234 : memref<1000000x16xf32, #tpu.memory_space<hbm>>) target(%dma_start3A_229 : memref<128x16xf32, #tpu.memory_space<vmem>>) offsets(%dma_start3A_231 : memref<128xi32, #tpu.memory_space<vmem>>) semaphore(%arg13 : memref<!tpu.dma_semaphore, #tpu.memory_space<semaphore_mem>>)
      %dma_start3A_235 = arith.constant 1792 : i32
      %dma_start3A_236 = arith.constant 0 : i32
      %dma_start3A_237 = tpu.memref_slice %arg10[%dma_start3A_235, %dma_start3A_236] : memref<2560x16xf32, #tpu.memory_space<vmem>> -> memref<128x16xf32, #tpu.memory_space<vmem>>
      %dma_start3A_238 = arith.constant 1792 : i32
      %dma_start3A_239 = tpu.memref_slice %arg8[%dma_start3A_238] : memref<2560xi32, #tpu.memory_space<vmem>> -> memref<128xi32, #tpu.memory_space<vmem>>
      %dma_start3A_240 = arith.constant 0 : i32
      %dma_start3A_241 = arith.constant 0 : i32
      %dma_start3A_242 = tpu.memref_slice %arg4[%dma_start3A_240, %dma_start3A_241] : memref<1000000x16xf32, #tpu.memory_space<hbm>> -> memref<1000000x16xf32, #tpu.memory_space<hbm>>
      tpu.enqueue_indirect_dma source(%dma_start3A_242 : memref<1000000x16xf32, #tpu.memory_space<hbm>>) target(%dma_start3A_237 : memref<128x16xf32, #tpu.memory_space<vmem>>) offsets(%dma_start3A_239 : memref<128xi32, #tpu.memory_space<vmem>>) semaphore(%arg12 : memref<!tpu.dma_semaphore, #tpu.memory_space<semaphore_mem>>)
      %dma_start3A_243 = arith.constant 1792 : i32
      %dma_start3A_244 = arith.constant 0 : i32
      %dma_start3A_245 = tpu.memref_slice %arg11[%dma_start3A_243, %dma_start3A_244] : memref<2560x16xf32, #tpu.memory_space<vmem>> -> memref<128x16xf32, #tpu.memory_space<vmem>>
      %dma_start3A_246 = arith.constant 1792 : i32
      %dma_start3A_247 = tpu.memref_slice %arg9[%dma_start3A_246] : memref<2560xi32, #tpu.memory_space<vmem>> -> memref<128xi32, #tpu.memory_space<vmem>>
      %dma_start3A_248 = arith.constant 0 : i32
      %dma_start3A_249 = arith.constant 0 : i32
      %dma_start3A_250 = tpu.memref_slice %arg5[%dma_start3A_248, %dma_start3A_249] : memref<1000000x16xf32, #tpu.memory_space<hbm>> -> memref<1000000x16xf32, #tpu.memory_space<hbm>>
      tpu.enqueue_indirect_dma source(%dma_start3A_250 : memref<1000000x16xf32, #tpu.memory_space<hbm>>) target(%dma_start3A_245 : memref<128x16xf32, #tpu.memory_space<vmem>>) offsets(%dma_start3A_247 : memref<128xi32, #tpu.memory_space<vmem>>) semaphore(%arg13 : memref<!tpu.dma_semaphore, #tpu.memory_space<semaphore_mem>>)
      %dma_start3A_251 = arith.constant 1920 : i32
      %dma_start3A_252 = arith.constant 0 : i32
      %dma_start3A_253 = tpu.memref_slice %arg10[%dma_start3A_251, %dma_start3A_252] : memref<2560x16xf32, #tpu.memory_space<vmem>> -> memref<128x16xf32, #tpu.memory_space<vmem>>
      %dma_start3A_254 = arith.constant 1920 : i32
      %dma_start3A_255 = tpu.memref_slice %arg8[%dma_start3A_254] : memref<2560xi32, #tpu.memory_space<vmem>> -> memref<128xi32, #tpu.memory_space<vmem>>
      %dma_start3A_256 = arith.constant 0 : i32
      %dma_start3A_257 = arith.constant 0 : i32
      %dma_start3A_258 = tpu.memref_slice %arg4[%dma_start3A_256, %dma_start3A_257] : memref<1000000x16xf32, #tpu.memory_space<hbm>> -> memref<1000000x16xf32, #tpu.memory_space<hbm>>
      tpu.enqueue_indirect_dma source(%dma_start3A_258 : memref<1000000x16xf32, #tpu.memory_space<hbm>>) target(%dma_start3A_253 : memref<128x16xf32, #tpu.memory_space<vmem>>) offsets(%dma_start3A_255 : memref<128xi32, #tpu.memory_space<vmem>>) semaphore(%arg12 : memref<!tpu.dma_semaphore, #tpu.memory_space<semaphore_mem>>)
      %dma_start3A_259 = arith.constant 1920 : i32
      %dma_start3A_260 = arith.constant 0 : i32
      %dma_start3A_261 = tpu.memref_slice %arg11[%dma_start3A_259, %dma_start3A_260] : memref<2560x16xf32, #tpu.memory_space<vmem>> -> memref<128x16xf32, #tpu.memory_space<vmem>>
      %dma_start3A_262 = arith.constant 1920 : i32
      %dma_start3A_263 = tpu.memref_slice %arg9[%dma_start3A_262] : memref<2560xi32, #tpu.memory_space<vmem>> -> memref<128xi32, #tpu.memory_space<vmem>>
      %dma_start3A_264 = arith.constant 0 : i32
      %dma_start3A_265 = arith.constant 0 : i32
      %dma_start3A_266 = tpu.memref_slice %arg5[%dma_start3A_264, %dma_start3A_265] : memref<1000000x16xf32, #tpu.memory_space<hbm>> -> memref<1000000x16xf32, #tpu.memory_space<hbm>>
      tpu.enqueue_indirect_dma source(%dma_start3A_266 : memref<1000000x16xf32, #tpu.memory_space<hbm>>) target(%dma_start3A_261 : memref<128x16xf32, #tpu.memory_space<vmem>>) offsets(%dma_start3A_263 : memref<128xi32, #tpu.memory_space<vmem>>) semaphore(%arg13 : memref<!tpu.dma_semaphore, #tpu.memory_space<semaphore_mem>>)
      %dma_start3A_267 = arith.constant 2048 : i32
      %dma_start3A_268 = arith.constant 0 : i32
      %dma_start3A_269 = tpu.memref_slice %arg10[%dma_start3A_267, %dma_start3A_268] : memref<2560x16xf32, #tpu.memory_space<vmem>> -> memref<128x16xf32, #tpu.memory_space<vmem>>
      %dma_start3A_270 = arith.constant 2048 : i32
      %dma_start3A_271 = tpu.memref_slice %arg8[%dma_start3A_270] : memref<2560xi32, #tpu.memory_space<vmem>> -> memref<128xi32, #tpu.memory_space<vmem>>
      %dma_start3A_272 = arith.constant 0 : i32
      %dma_start3A_273 = arith.constant 0 : i32
      %dma_start3A_274 = tpu.memref_slice %arg4[%dma_start3A_272, %dma_start3A_273] : memref<1000000x16xf32, #tpu.memory_space<hbm>> -> memref<1000000x16xf32, #tpu.memory_space<hbm>>
      tpu.enqueue_indirect_dma source(%dma_start3A_274 : memref<1000000x16xf32, #tpu.memory_space<hbm>>) target(%dma_start3A_269 : memref<128x16xf32, #tpu.memory_space<vmem>>) offsets(%dma_start3A_271 : memref<128xi32, #tpu.memory_space<vmem>>) semaphore(%arg12 : memref<!tpu.dma_semaphore, #tpu.memory_space<semaphore_mem>>)
      %dma_start3A_275 = arith.constant 2048 : i32
      %dma_start3A_276 = arith.constant 0 : i32
      %dma_start3A_277 = tpu.memref_slice %arg11[%dma_start3A_275, %dma_start3A_276] : memref<2560x16xf32, #tpu.memory_space<vmem>> -> memref<128x16xf32, #tpu.memory_space<vmem>>
      %dma_start3A_278 = arith.constant 2048 : i32
      %dma_start3A_279 = tpu.memref_slice %arg9[%dma_start3A_278] : memref<2560xi32, #tpu.memory_space<vmem>> -> memref<128xi32, #tpu.memory_space<vmem>>
      %dma_start3A_280 = arith.constant 0 : i32
      %dma_start3A_281 = arith.constant 0 : i32
      %dma_start3A_282 = tpu.memref_slice %arg5[%dma_start3A_280, %dma_start3A_281] : memref<1000000x16xf32, #tpu.memory_space<hbm>> -> memref<1000000x16xf32, #tpu.memory_space<hbm>>
      tpu.enqueue_indirect_dma source(%dma_start3A_282 : memref<1000000x16xf32, #tpu.memory_space<hbm>>) target(%dma_start3A_277 : memref<128x16xf32, #tpu.memory_space<vmem>>) offsets(%dma_start3A_279 : memref<128xi32, #tpu.memory_space<vmem>>) semaphore(%arg13 : memref<!tpu.dma_semaphore, #tpu.memory_space<semaphore_mem>>)
      %dma_start3A_283 = arith.constant 2176 : i32
      %dma_start3A_284 = arith.constant 0 : i32
      %dma_start3A_285 = tpu.memref_slice %arg10[%dma_start3A_283, %dma_start3A_284] : memref<2560x16xf32, #tpu.memory_space<vmem>> -> memref<128x16xf32, #tpu.memory_space<vmem>>
      %dma_start3A_286 = arith.constant 2176 : i32
      %dma_start3A_287 = tpu.memref_slice %arg8[%dma_start3A_286] : memref<2560xi32, #tpu.memory_space<vmem>> -> memref<128xi32, #tpu.memory_space<vmem>>
      %dma_start3A_288 = arith.constant 0 : i32
      %dma_start3A_289 = arith.constant 0 : i32
      %dma_start3A_290 = tpu.memref_slice %arg4[%dma_start3A_288, %dma_start3A_289] : memref<1000000x16xf32, #tpu.memory_space<hbm>> -> memref<1000000x16xf32, #tpu.memory_space<hbm>>
      tpu.enqueue_indirect_dma source(%dma_start3A_290 : memref<1000000x16xf32, #tpu.memory_space<hbm>>) target(%dma_start3A_285 : memref<128x16xf32, #tpu.memory_space<vmem>>) offsets(%dma_start3A_287 : memref<128xi32, #tpu.memory_space<vmem>>) semaphore(%arg12 : memref<!tpu.dma_semaphore, #tpu.memory_space<semaphore_mem>>)
      %dma_start3A_291 = arith.constant 2176 : i32
      %dma_start3A_292 = arith.constant 0 : i32
      %dma_start3A_293 = tpu.memref_slice %arg11[%dma_start3A_291, %dma_start3A_292] : memref<2560x16xf32, #tpu.memory_space<vmem>> -> memref<128x16xf32, #tpu.memory_space<vmem>>
      %dma_start3A_294 = arith.constant 2176 : i32
      %dma_start3A_295 = tpu.memref_slice %arg9[%dma_start3A_294] : memref<2560xi32, #tpu.memory_space<vmem>> -> memref<128xi32, #tpu.memory_space<vmem>>
      %dma_start3A_296 = arith.constant 0 : i32
      %dma_start3A_297 = arith.constant 0 : i32
      %dma_start3A_298 = tpu.memref_slice %arg5[%dma_start3A_296, %dma_start3A_297] : memref<1000000x16xf32, #tpu.memory_space<hbm>> -> memref<1000000x16xf32, #tpu.memory_space<hbm>>
      tpu.enqueue_indirect_dma source(%dma_start3A_298 : memref<1000000x16xf32, #tpu.memory_space<hbm>>) target(%dma_start3A_293 : memref<128x16xf32, #tpu.memory_space<vmem>>) offsets(%dma_start3A_295 : memref<128xi32, #tpu.memory_space<vmem>>) semaphore(%arg13 : memref<!tpu.dma_semaphore, #tpu.memory_space<semaphore_mem>>)
      %dma_start3A_299 = arith.constant 2304 : i32
      %dma_start3A_300 = arith.constant 0 : i32
      %dma_start3A_301 = tpu.memref_slice %arg10[%dma_start3A_299, %dma_start3A_300] : memref<2560x16xf32, #tpu.memory_space<vmem>> -> memref<128x16xf32, #tpu.memory_space<vmem>>
      %dma_start3A_302 = arith.constant 2304 : i32
      %dma_start3A_303 = tpu.memref_slice %arg8[%dma_start3A_302] : memref<2560xi32, #tpu.memory_space<vmem>> -> memref<128xi32, #tpu.memory_space<vmem>>
      %dma_start3A_304 = arith.constant 0 : i32
      %dma_start3A_305 = arith.constant 0 : i32
      %dma_start3A_306 = tpu.memref_slice %arg4[%dma_start3A_304, %dma_start3A_305] : memref<1000000x16xf32, #tpu.memory_space<hbm>> -> memref<1000000x16xf32, #tpu.memory_space<hbm>>
      tpu.enqueue_indirect_dma source(%dma_start3A_306 : memref<1000000x16xf32, #tpu.memory_space<hbm>>) target(%dma_start3A_301 : memref<128x16xf32, #tpu.memory_space<vmem>>) offsets(%dma_start3A_303 : memref<128xi32, #tpu.memory_space<vmem>>) semaphore(%arg12 : memref<!tpu.dma_semaphore, #tpu.memory_space<semaphore_mem>>)
      %dma_start3A_307 = arith.constant 2304 : i32
      %dma_start3A_308 = arith.constant 0 : i32
      %dma_start3A_309 = tpu.memref_slice %arg11[%dma_start3A_307, %dma_start3A_308] : memref<2560x16xf32, #tpu.memory_space<vmem>> -> memref<128x16xf32, #tpu.memory_space<vmem>>
      %dma_start3A_310 = arith.constant 2304 : i32
      %dma_start3A_311 = tpu.memref_slice %arg9[%dma_start3A_310] : memref<2560xi32, #tpu.memory_space<vmem>> -> memref<128xi32, #tpu.memory_space<vmem>>
      %dma_start3A_312 = arith.constant 0 : i32
      %dma_start3A_313 = arith.constant 0 : i32
      %dma_start3A_314 = tpu.memref_slice %arg5[%dma_start3A_312, %dma_start3A_313] : memref<1000000x16xf32, #tpu.memory_space<hbm>> -> memref<1000000x16xf32, #tpu.memory_space<hbm>>
      tpu.enqueue_indirect_dma source(%dma_start3A_314 : memref<1000000x16xf32, #tpu.memory_space<hbm>>) target(%dma_start3A_309 : memref<128x16xf32, #tpu.memory_space<vmem>>) offsets(%dma_start3A_311 : memref<128xi32, #tpu.memory_space<vmem>>) semaphore(%arg13 : memref<!tpu.dma_semaphore, #tpu.memory_space<semaphore_mem>>)
      %dma_start3A_315 = arith.constant 2432 : i32
      %dma_start3A_316 = arith.constant 0 : i32
      %dma_start3A_317 = tpu.memref_slice %arg10[%dma_start3A_315, %dma_start3A_316] : memref<2560x16xf32, #tpu.memory_space<vmem>> -> memref<128x16xf32, #tpu.memory_space<vmem>>
      %dma_start3A_318 = arith.constant 2432 : i32
      %dma_start3A_319 = tpu.memref_slice %arg8[%dma_start3A_318] : memref<2560xi32, #tpu.memory_space<vmem>> -> memref<128xi32, #tpu.memory_space<vmem>>
      %dma_start3A_320 = arith.constant 0 : i32
      %dma_start3A_321 = arith.constant 0 : i32
      %dma_start3A_322 = tpu.memref_slice %arg4[%dma_start3A_320, %dma_start3A_321] : memref<1000000x16xf32, #tpu.memory_space<hbm>> -> memref<1000000x16xf32, #tpu.memory_space<hbm>>
      tpu.enqueue_indirect_dma source(%dma_start3A_322 : memref<1000000x16xf32, #tpu.memory_space<hbm>>) target(%dma_start3A_317 : memref<128x16xf32, #tpu.memory_space<vmem>>) offsets(%dma_start3A_319 : memref<128xi32, #tpu.memory_space<vmem>>) semaphore(%arg12 : memref<!tpu.dma_semaphore, #tpu.memory_space<semaphore_mem>>)
      %dma_start3A_323 = arith.constant 2432 : i32
      %dma_start3A_324 = arith.constant 0 : i32
      %dma_start3A_325 = tpu.memref_slice %arg11[%dma_start3A_323, %dma_start3A_324] : memref<2560x16xf32, #tpu.memory_space<vmem>> -> memref<128x16xf32, #tpu.memory_space<vmem>>
      %dma_start3A_326 = arith.constant 2432 : i32
      %dma_start3A_327 = tpu.memref_slice %arg9[%dma_start3A_326] : memref<2560xi32, #tpu.memory_space<vmem>> -> memref<128xi32, #tpu.memory_space<vmem>>
      %dma_start3A_328 = arith.constant 0 : i32
      %dma_start3A_329 = arith.constant 0 : i32
      %dma_start3A_330 = tpu.memref_slice %arg5[%dma_start3A_328, %dma_start3A_329] : memref<1000000x16xf32, #tpu.memory_space<hbm>> -> memref<1000000x16xf32, #tpu.memory_space<hbm>>
      tpu.enqueue_indirect_dma source(%dma_start3A_330 : memref<1000000x16xf32, #tpu.memory_space<hbm>>) target(%dma_start3A_325 : memref<128x16xf32, #tpu.memory_space<vmem>>) offsets(%dma_start3A_327 : memref<128xi32, #tpu.memory_space<vmem>>) semaphore(%arg13 : memref<!tpu.dma_semaphore, #tpu.memory_space<semaphore_mem>>)
      %dma_wait3A = arith.constant 0 : i32
      %dma_wait3A_331 = arith.constant 0 : i32
      %dma_wait3A_332 = tpu.memref_slice %arg10[%dma_wait3A, %dma_wait3A_331] : memref<2560x16xf32, #tpu.memory_space<vmem>> -> memref<128x16xf32, #tpu.memory_space<vmem>>
      %dma_wait3A_333 = arith.constant 0 : i32
      %dma_wait3A_334 = tpu.memref_slice %arg8[%dma_wait3A_333] : memref<2560xi32, #tpu.memory_space<vmem>> -> memref<128xi32, #tpu.memory_space<vmem>>
      %dma_wait3A_335 = arith.constant 0 : i32
      %dma_wait3A_336 = arith.constant 0 : i32
      %dma_wait3A_337 = tpu.memref_slice %arg4[%dma_wait3A_335, %dma_wait3A_336] : memref<1000000x16xf32, #tpu.memory_space<hbm>> -> memref<1000000x16xf32, #tpu.memory_space<hbm>>
      tpu.wait_indirect_dma semaphore(%arg12 : memref<!tpu.dma_semaphore, #tpu.memory_space<semaphore_mem>>) src(%dma_wait3A_337 : memref<1000000x16xf32, #tpu.memory_space<hbm>>) dst(%dma_wait3A_332 : memref<128x16xf32, #tpu.memory_space<vmem>>)
      %dma_wait3A_338 = arith.constant 128 : i32
      %dma_wait3A_339 = arith.constant 0 : i32
      %dma_wait3A_340 = tpu.memref_slice %arg10[%dma_wait3A_338, %dma_wait3A_339] : memref<2560x16xf32, #tpu.memory_space<vmem>> -> memref<128x16xf32, #tpu.memory_space<vmem>>
      %dma_wait3A_341 = arith.constant 128 : i32
      %dma_wait3A_342 = tpu.memref_slice %arg8[%dma_wait3A_341] : memref<2560xi32, #tpu.memory_space<vmem>> -> memref<128xi32, #tpu.memory_space<vmem>>
      %dma_wait3A_343 = arith.constant 0 : i32
      %dma_wait3A_344 = arith.constant 0 : i32
      %dma_wait3A_345 = tpu.memref_slice %arg4[%dma_wait3A_343, %dma_wait3A_344] : memref<1000000x16xf32, #tpu.memory_space<hbm>> -> memref<1000000x16xf32, #tpu.memory_space<hbm>>
      tpu.wait_indirect_dma semaphore(%arg12 : memref<!tpu.dma_semaphore, #tpu.memory_space<semaphore_mem>>) src(%dma_wait3A_345 : memref<1000000x16xf32, #tpu.memory_space<hbm>>) dst(%dma_wait3A_340 : memref<128x16xf32, #tpu.memory_space<vmem>>)
      %dma_wait3A_346 = arith.constant 256 : i32
      %dma_wait3A_347 = arith.constant 0 : i32
      %dma_wait3A_348 = tpu.memref_slice %arg10[%dma_wait3A_346, %dma_wait3A_347] : memref<2560x16xf32, #tpu.memory_space<vmem>> -> memref<128x16xf32, #tpu.memory_space<vmem>>
      %dma_wait3A_349 = arith.constant 256 : i32
      %dma_wait3A_350 = tpu.memref_slice %arg8[%dma_wait3A_349] : memref<2560xi32, #tpu.memory_space<vmem>> -> memref<128xi32, #tpu.memory_space<vmem>>
      %dma_wait3A_351 = arith.constant 0 : i32
      %dma_wait3A_352 = arith.constant 0 : i32
      %dma_wait3A_353 = tpu.memref_slice %arg4[%dma_wait3A_351, %dma_wait3A_352] : memref<1000000x16xf32, #tpu.memory_space<hbm>> -> memref<1000000x16xf32, #tpu.memory_space<hbm>>
      tpu.wait_indirect_dma semaphore(%arg12 : memref<!tpu.dma_semaphore, #tpu.memory_space<semaphore_mem>>) src(%dma_wait3A_353 : memref<1000000x16xf32, #tpu.memory_space<hbm>>) dst(%dma_wait3A_348 : memref<128x16xf32, #tpu.memory_space<vmem>>)
      %dma_wait3A_354 = arith.constant 384 : i32
      %dma_wait3A_355 = arith.constant 0 : i32
      %dma_wait3A_356 = tpu.memref_slice %arg10[%dma_wait3A_354, %dma_wait3A_355] : memref<2560x16xf32, #tpu.memory_space<vmem>> -> memref<128x16xf32, #tpu.memory_space<vmem>>
      %dma_wait3A_357 = arith.constant 384 : i32
      %dma_wait3A_358 = tpu.memref_slice %arg8[%dma_wait3A_357] : memref<2560xi32, #tpu.memory_space<vmem>> -> memref<128xi32, #tpu.memory_space<vmem>>
      %dma_wait3A_359 = arith.constant 0 : i32
      %dma_wait3A_360 = arith.constant 0 : i32
      %dma_wait3A_361 = tpu.memref_slice %arg4[%dma_wait3A_359, %dma_wait3A_360] : memref<1000000x16xf32, #tpu.memory_space<hbm>> -> memref<1000000x16xf32, #tpu.memory_space<hbm>>
      tpu.wait_indirect_dma semaphore(%arg12 : memref<!tpu.dma_semaphore, #tpu.memory_space<semaphore_mem>>) src(%dma_wait3A_361 : memref<1000000x16xf32, #tpu.memory_space<hbm>>) dst(%dma_wait3A_356 : memref<128x16xf32, #tpu.memory_space<vmem>>)
      %dma_wait3A_362 = arith.constant 512 : i32
      %dma_wait3A_363 = arith.constant 0 : i32
      %dma_wait3A_364 = tpu.memref_slice %arg10[%dma_wait3A_362, %dma_wait3A_363] : memref<2560x16xf32, #tpu.memory_space<vmem>> -> memref<128x16xf32, #tpu.memory_space<vmem>>
      %dma_wait3A_365 = arith.constant 512 : i32
      %dma_wait3A_366 = tpu.memref_slice %arg8[%dma_wait3A_365] : memref<2560xi32, #tpu.memory_space<vmem>> -> memref<128xi32, #tpu.memory_space<vmem>>
      %dma_wait3A_367 = arith.constant 0 : i32
      %dma_wait3A_368 = arith.constant 0 : i32
      %dma_wait3A_369 = tpu.memref_slice %arg4[%dma_wait3A_367, %dma_wait3A_368] : memref<1000000x16xf32, #tpu.memory_space<hbm>> -> memref<1000000x16xf32, #tpu.memory_space<hbm>>
      tpu.wait_indirect_dma semaphore(%arg12 : memref<!tpu.dma_semaphore, #tpu.memory_space<semaphore_mem>>) src(%dma_wait3A_369 : memref<1000000x16xf32, #tpu.memory_space<hbm>>) dst(%dma_wait3A_364 : memref<128x16xf32, #tpu.memory_space<vmem>>)
      %dma_wait3A_370 = arith.constant 640 : i32
      %dma_wait3A_371 = arith.constant 0 : i32
      %dma_wait3A_372 = tpu.memref_slice %arg10[%dma_wait3A_370, %dma_wait3A_371] : memref<2560x16xf32, #tpu.memory_space<vmem>> -> memref<128x16xf32, #tpu.memory_space<vmem>>
      %dma_wait3A_373 = arith.constant 640 : i32
      %dma_wait3A_374 = tpu.memref_slice %arg8[%dma_wait3A_373] : memref<2560xi32, #tpu.memory_space<vmem>> -> memref<128xi32, #tpu.memory_space<vmem>>
      %dma_wait3A_375 = arith.constant 0 : i32
      %dma_wait3A_376 = arith.constant 0 : i32
      %dma_wait3A_377 = tpu.memref_slice %arg4[%dma_wait3A_375, %dma_wait3A_376] : memref<1000000x16xf32, #tpu.memory_space<hbm>> -> memref<1000000x16xf32, #tpu.memory_space<hbm>>
      tpu.wait_indirect_dma semaphore(%arg12 : memref<!tpu.dma_semaphore, #tpu.memory_space<semaphore_mem>>) src(%dma_wait3A_377 : memref<1000000x16xf32, #tpu.memory_space<hbm>>) dst(%dma_wait3A_372 : memref<128x16xf32, #tpu.memory_space<vmem>>)
      %dma_wait3A_378 = arith.constant 768 : i32
      %dma_wait3A_379 = arith.constant 0 : i32
      %dma_wait3A_380 = tpu.memref_slice %arg10[%dma_wait3A_378, %dma_wait3A_379] : memref<2560x16xf32, #tpu.memory_space<vmem>> -> memref<128x16xf32, #tpu.memory_space<vmem>>
      %dma_wait3A_381 = arith.constant 768 : i32
      %dma_wait3A_382 = tpu.memref_slice %arg8[%dma_wait3A_381] : memref<2560xi32, #tpu.memory_space<vmem>> -> memref<128xi32, #tpu.memory_space<vmem>>
      %dma_wait3A_383 = arith.constant 0 : i32
      %dma_wait3A_384 = arith.constant 0 : i32
      %dma_wait3A_385 = tpu.memref_slice %arg4[%dma_wait3A_383, %dma_wait3A_384] : memref<1000000x16xf32, #tpu.memory_space<hbm>> -> memref<1000000x16xf32, #tpu.memory_space<hbm>>
      tpu.wait_indirect_dma semaphore(%arg12 : memref<!tpu.dma_semaphore, #tpu.memory_space<semaphore_mem>>) src(%dma_wait3A_385 : memref<1000000x16xf32, #tpu.memory_space<hbm>>) dst(%dma_wait3A_380 : memref<128x16xf32, #tpu.memory_space<vmem>>)
      %dma_wait3A_386 = arith.constant 896 : i32
      %dma_wait3A_387 = arith.constant 0 : i32
      %dma_wait3A_388 = tpu.memref_slice %arg10[%dma_wait3A_386, %dma_wait3A_387] : memref<2560x16xf32, #tpu.memory_space<vmem>> -> memref<128x16xf32, #tpu.memory_space<vmem>>
      %dma_wait3A_389 = arith.constant 896 : i32
      %dma_wait3A_390 = tpu.memref_slice %arg8[%dma_wait3A_389] : memref<2560xi32, #tpu.memory_space<vmem>> -> memref<128xi32, #tpu.memory_space<vmem>>
      %dma_wait3A_391 = arith.constant 0 : i32
      %dma_wait3A_392 = arith.constant 0 : i32
      %dma_wait3A_393 = tpu.memref_slice %arg4[%dma_wait3A_391, %dma_wait3A_392] : memref<1000000x16xf32, #tpu.memory_space<hbm>> -> memref<1000000x16xf32, #tpu.memory_space<hbm>>
      tpu.wait_indirect_dma semaphore(%arg12 : memref<!tpu.dma_semaphore, #tpu.memory_space<semaphore_mem>>) src(%dma_wait3A_393 : memref<1000000x16xf32, #tpu.memory_space<hbm>>) dst(%dma_wait3A_388 : memref<128x16xf32, #tpu.memory_space<vmem>>)
      %dma_wait3A_394 = arith.constant 1024 : i32
      %dma_wait3A_395 = arith.constant 0 : i32
      %dma_wait3A_396 = tpu.memref_slice %arg10[%dma_wait3A_394, %dma_wait3A_395] : memref<2560x16xf32, #tpu.memory_space<vmem>> -> memref<128x16xf32, #tpu.memory_space<vmem>>
      %dma_wait3A_397 = arith.constant 1024 : i32
      %dma_wait3A_398 = tpu.memref_slice %arg8[%dma_wait3A_397] : memref<2560xi32, #tpu.memory_space<vmem>> -> memref<128xi32, #tpu.memory_space<vmem>>
      %dma_wait3A_399 = arith.constant 0 : i32
      %dma_wait3A_400 = arith.constant 0 : i32
      %dma_wait3A_401 = tpu.memref_slice %arg4[%dma_wait3A_399, %dma_wait3A_400] : memref<1000000x16xf32, #tpu.memory_space<hbm>> -> memref<1000000x16xf32, #tpu.memory_space<hbm>>
      tpu.wait_indirect_dma semaphore(%arg12 : memref<!tpu.dma_semaphore, #tpu.memory_space<semaphore_mem>>) src(%dma_wait3A_401 : memref<1000000x16xf32, #tpu.memory_space<hbm>>) dst(%dma_wait3A_396 : memref<128x16xf32, #tpu.memory_space<vmem>>)
      %dma_wait3A_402 = arith.constant 1152 : i32
      %dma_wait3A_403 = arith.constant 0 : i32
      %dma_wait3A_404 = tpu.memref_slice %arg10[%dma_wait3A_402, %dma_wait3A_403] : memref<2560x16xf32, #tpu.memory_space<vmem>> -> memref<128x16xf32, #tpu.memory_space<vmem>>
      %dma_wait3A_405 = arith.constant 1152 : i32
      %dma_wait3A_406 = tpu.memref_slice %arg8[%dma_wait3A_405] : memref<2560xi32, #tpu.memory_space<vmem>> -> memref<128xi32, #tpu.memory_space<vmem>>
      %dma_wait3A_407 = arith.constant 0 : i32
      %dma_wait3A_408 = arith.constant 0 : i32
      %dma_wait3A_409 = tpu.memref_slice %arg4[%dma_wait3A_407, %dma_wait3A_408] : memref<1000000x16xf32, #tpu.memory_space<hbm>> -> memref<1000000x16xf32, #tpu.memory_space<hbm>>
      tpu.wait_indirect_dma semaphore(%arg12 : memref<!tpu.dma_semaphore, #tpu.memory_space<semaphore_mem>>) src(%dma_wait3A_409 : memref<1000000x16xf32, #tpu.memory_space<hbm>>) dst(%dma_wait3A_404 : memref<128x16xf32, #tpu.memory_space<vmem>>)
      %dma_wait3A_410 = arith.constant 1280 : i32
      %dma_wait3A_411 = arith.constant 0 : i32
      %dma_wait3A_412 = tpu.memref_slice %arg10[%dma_wait3A_410, %dma_wait3A_411] : memref<2560x16xf32, #tpu.memory_space<vmem>> -> memref<128x16xf32, #tpu.memory_space<vmem>>
      %dma_wait3A_413 = arith.constant 1280 : i32
      %dma_wait3A_414 = tpu.memref_slice %arg8[%dma_wait3A_413] : memref<2560xi32, #tpu.memory_space<vmem>> -> memref<128xi32, #tpu.memory_space<vmem>>
      %dma_wait3A_415 = arith.constant 0 : i32
      %dma_wait3A_416 = arith.constant 0 : i32
      %dma_wait3A_417 = tpu.memref_slice %arg4[%dma_wait3A_415, %dma_wait3A_416] : memref<1000000x16xf32, #tpu.memory_space<hbm>> -> memref<1000000x16xf32, #tpu.memory_space<hbm>>
      tpu.wait_indirect_dma semaphore(%arg12 : memref<!tpu.dma_semaphore, #tpu.memory_space<semaphore_mem>>) src(%dma_wait3A_417 : memref<1000000x16xf32, #tpu.memory_space<hbm>>) dst(%dma_wait3A_412 : memref<128x16xf32, #tpu.memory_space<vmem>>)
      %dma_wait3A_418 = arith.constant 1408 : i32
      %dma_wait3A_419 = arith.constant 0 : i32
      %dma_wait3A_420 = tpu.memref_slice %arg10[%dma_wait3A_418, %dma_wait3A_419] : memref<2560x16xf32, #tpu.memory_space<vmem>> -> memref<128x16xf32, #tpu.memory_space<vmem>>
      %dma_wait3A_421 = arith.constant 1408 : i32
      %dma_wait3A_422 = tpu.memref_slice %arg8[%dma_wait3A_421] : memref<2560xi32, #tpu.memory_space<vmem>> -> memref<128xi32, #tpu.memory_space<vmem>>
      %dma_wait3A_423 = arith.constant 0 : i32
      %dma_wait3A_424 = arith.constant 0 : i32
      %dma_wait3A_425 = tpu.memref_slice %arg4[%dma_wait3A_423, %dma_wait3A_424] : memref<1000000x16xf32, #tpu.memory_space<hbm>> -> memref<1000000x16xf32, #tpu.memory_space<hbm>>
      tpu.wait_indirect_dma semaphore(%arg12 : memref<!tpu.dma_semaphore, #tpu.memory_space<semaphore_mem>>) src(%dma_wait3A_425 : memref<1000000x16xf32, #tpu.memory_space<hbm>>) dst(%dma_wait3A_420 : memref<128x16xf32, #tpu.memory_space<vmem>>)
      %dma_wait3A_426 = arith.constant 1536 : i32
      %dma_wait3A_427 = arith.constant 0 : i32
      %dma_wait3A_428 = tpu.memref_slice %arg10[%dma_wait3A_426, %dma_wait3A_427] : memref<2560x16xf32, #tpu.memory_space<vmem>> -> memref<128x16xf32, #tpu.memory_space<vmem>>
      %dma_wait3A_429 = arith.constant 1536 : i32
      %dma_wait3A_430 = tpu.memref_slice %arg8[%dma_wait3A_429] : memref<2560xi32, #tpu.memory_space<vmem>> -> memref<128xi32, #tpu.memory_space<vmem>>
      %dma_wait3A_431 = arith.constant 0 : i32
      %dma_wait3A_432 = arith.constant 0 : i32
      %dma_wait3A_433 = tpu.memref_slice %arg4[%dma_wait3A_431, %dma_wait3A_432] : memref<1000000x16xf32, #tpu.memory_space<hbm>> -> memref<1000000x16xf32, #tpu.memory_space<hbm>>
      tpu.wait_indirect_dma semaphore(%arg12 : memref<!tpu.dma_semaphore, #tpu.memory_space<semaphore_mem>>) src(%dma_wait3A_433 : memref<1000000x16xf32, #tpu.memory_space<hbm>>) dst(%dma_wait3A_428 : memref<128x16xf32, #tpu.memory_space<vmem>>)
      %dma_wait3A_434 = arith.constant 1664 : i32
      %dma_wait3A_435 = arith.constant 0 : i32
      %dma_wait3A_436 = tpu.memref_slice %arg10[%dma_wait3A_434, %dma_wait3A_435] : memref<2560x16xf32, #tpu.memory_space<vmem>> -> memref<128x16xf32, #tpu.memory_space<vmem>>
      %dma_wait3A_437 = arith.constant 1664 : i32
      %dma_wait3A_438 = tpu.memref_slice %arg8[%dma_wait3A_437] : memref<2560xi32, #tpu.memory_space<vmem>> -> memref<128xi32, #tpu.memory_space<vmem>>
      %dma_wait3A_439 = arith.constant 0 : i32
      %dma_wait3A_440 = arith.constant 0 : i32
      %dma_wait3A_441 = tpu.memref_slice %arg4[%dma_wait3A_439, %dma_wait3A_440] : memref<1000000x16xf32, #tpu.memory_space<hbm>> -> memref<1000000x16xf32, #tpu.memory_space<hbm>>
      tpu.wait_indirect_dma semaphore(%arg12 : memref<!tpu.dma_semaphore, #tpu.memory_space<semaphore_mem>>) src(%dma_wait3A_441 : memref<1000000x16xf32, #tpu.memory_space<hbm>>) dst(%dma_wait3A_436 : memref<128x16xf32, #tpu.memory_space<vmem>>)
      %dma_wait3A_442 = arith.constant 1792 : i32
      %dma_wait3A_443 = arith.constant 0 : i32
      %dma_wait3A_444 = tpu.memref_slice %arg10[%dma_wait3A_442, %dma_wait3A_443] : memref<2560x16xf32, #tpu.memory_space<vmem>> -> memref<128x16xf32, #tpu.memory_space<vmem>>
      %dma_wait3A_445 = arith.constant 1792 : i32
      %dma_wait3A_446 = tpu.memref_slice %arg8[%dma_wait3A_445] : memref<2560xi32, #tpu.memory_space<vmem>> -> memref<128xi32, #tpu.memory_space<vmem>>
      %dma_wait3A_447 = arith.constant 0 : i32
      %dma_wait3A_448 = arith.constant 0 : i32
      %dma_wait3A_449 = tpu.memref_slice %arg4[%dma_wait3A_447, %dma_wait3A_448] : memref<1000000x16xf32, #tpu.memory_space<hbm>> -> memref<1000000x16xf32, #tpu.memory_space<hbm>>
      tpu.wait_indirect_dma semaphore(%arg12 : memref<!tpu.dma_semaphore, #tpu.memory_space<semaphore_mem>>) src(%dma_wait3A_449 : memref<1000000x16xf32, #tpu.memory_space<hbm>>) dst(%dma_wait3A_444 : memref<128x16xf32, #tpu.memory_space<vmem>>)
      %dma_wait3A_450 = arith.constant 1920 : i32
      %dma_wait3A_451 = arith.constant 0 : i32
      %dma_wait3A_452 = tpu.memref_slice %arg10[%dma_wait3A_450, %dma_wait3A_451] : memref<2560x16xf32, #tpu.memory_space<vmem>> -> memref<128x16xf32, #tpu.memory_space<vmem>>
      %dma_wait3A_453 = arith.constant 1920 : i32
      %dma_wait3A_454 = tpu.memref_slice %arg8[%dma_wait3A_453] : memref<2560xi32, #tpu.memory_space<vmem>> -> memref<128xi32, #tpu.memory_space<vmem>>
      %dma_wait3A_455 = arith.constant 0 : i32
      %dma_wait3A_456 = arith.constant 0 : i32
      %dma_wait3A_457 = tpu.memref_slice %arg4[%dma_wait3A_455, %dma_wait3A_456] : memref<1000000x16xf32, #tpu.memory_space<hbm>> -> memref<1000000x16xf32, #tpu.memory_space<hbm>>
      tpu.wait_indirect_dma semaphore(%arg12 : memref<!tpu.dma_semaphore, #tpu.memory_space<semaphore_mem>>) src(%dma_wait3A_457 : memref<1000000x16xf32, #tpu.memory_space<hbm>>) dst(%dma_wait3A_452 : memref<128x16xf32, #tpu.memory_space<vmem>>)
      %dma_wait3A_458 = arith.constant 2048 : i32
      %dma_wait3A_459 = arith.constant 0 : i32
      %dma_wait3A_460 = tpu.memref_slice %arg10[%dma_wait3A_458, %dma_wait3A_459] : memref<2560x16xf32, #tpu.memory_space<vmem>> -> memref<128x16xf32, #tpu.memory_space<vmem>>
      %dma_wait3A_461 = arith.constant 2048 : i32
      %dma_wait3A_462 = tpu.memref_slice %arg8[%dma_wait3A_461] : memref<2560xi32, #tpu.memory_space<vmem>> -> memref<128xi32, #tpu.memory_space<vmem>>
      %dma_wait3A_463 = arith.constant 0 : i32
      %dma_wait3A_464 = arith.constant 0 : i32
      %dma_wait3A_465 = tpu.memref_slice %arg4[%dma_wait3A_463, %dma_wait3A_464] : memref<1000000x16xf32, #tpu.memory_space<hbm>> -> memref<1000000x16xf32, #tpu.memory_space<hbm>>
      tpu.wait_indirect_dma semaphore(%arg12 : memref<!tpu.dma_semaphore, #tpu.memory_space<semaphore_mem>>) src(%dma_wait3A_465 : memref<1000000x16xf32, #tpu.memory_space<hbm>>) dst(%dma_wait3A_460 : memref<128x16xf32, #tpu.memory_space<vmem>>)
      %dma_wait3A_466 = arith.constant 2176 : i32
      %dma_wait3A_467 = arith.constant 0 : i32
      %dma_wait3A_468 = tpu.memref_slice %arg10[%dma_wait3A_466, %dma_wait3A_467] : memref<2560x16xf32, #tpu.memory_space<vmem>> -> memref<128x16xf32, #tpu.memory_space<vmem>>
      %dma_wait3A_469 = arith.constant 2176 : i32
      %dma_wait3A_470 = tpu.memref_slice %arg8[%dma_wait3A_469] : memref<2560xi32, #tpu.memory_space<vmem>> -> memref<128xi32, #tpu.memory_space<vmem>>
      %dma_wait3A_471 = arith.constant 0 : i32
      %dma_wait3A_472 = arith.constant 0 : i32
      %dma_wait3A_473 = tpu.memref_slice %arg4[%dma_wait3A_471, %dma_wait3A_472] : memref<1000000x16xf32, #tpu.memory_space<hbm>> -> memref<1000000x16xf32, #tpu.memory_space<hbm>>
      tpu.wait_indirect_dma semaphore(%arg12 : memref<!tpu.dma_semaphore, #tpu.memory_space<semaphore_mem>>) src(%dma_wait3A_473 : memref<1000000x16xf32, #tpu.memory_space<hbm>>) dst(%dma_wait3A_468 : memref<128x16xf32, #tpu.memory_space<vmem>>)
      %dma_wait3A_474 = arith.constant 2304 : i32
      %dma_wait3A_475 = arith.constant 0 : i32
      %dma_wait3A_476 = tpu.memref_slice %arg10[%dma_wait3A_474, %dma_wait3A_475] : memref<2560x16xf32, #tpu.memory_space<vmem>> -> memref<128x16xf32, #tpu.memory_space<vmem>>
      %dma_wait3A_477 = arith.constant 2304 : i32
      %dma_wait3A_478 = tpu.memref_slice %arg8[%dma_wait3A_477] : memref<2560xi32, #tpu.memory_space<vmem>> -> memref<128xi32, #tpu.memory_space<vmem>>
      %dma_wait3A_479 = arith.constant 0 : i32
      %dma_wait3A_480 = arith.constant 0 : i32
      %dma_wait3A_481 = tpu.memref_slice %arg4[%dma_wait3A_479, %dma_wait3A_480] : memref<1000000x16xf32, #tpu.memory_space<hbm>> -> memref<1000000x16xf32, #tpu.memory_space<hbm>>
      tpu.wait_indirect_dma semaphore(%arg12 : memref<!tpu.dma_semaphore, #tpu.memory_space<semaphore_mem>>) src(%dma_wait3A_481 : memref<1000000x16xf32, #tpu.memory_space<hbm>>) dst(%dma_wait3A_476 : memref<128x16xf32, #tpu.memory_space<vmem>>)
      %dma_wait3A_482 = arith.constant 2432 : i32
      %dma_wait3A_483 = arith.constant 0 : i32
      %dma_wait3A_484 = tpu.memref_slice %arg10[%dma_wait3A_482, %dma_wait3A_483] : memref<2560x16xf32, #tpu.memory_space<vmem>> -> memref<128x16xf32, #tpu.memory_space<vmem>>
      %dma_wait3A_485 = arith.constant 2432 : i32
      %dma_wait3A_486 = tpu.memref_slice %arg8[%dma_wait3A_485] : memref<2560xi32, #tpu.memory_space<vmem>> -> memref<128xi32, #tpu.memory_space<vmem>>
      %dma_wait3A_487 = arith.constant 0 : i32
      %dma_wait3A_488 = arith.constant 0 : i32
      %dma_wait3A_489 = tpu.memref_slice %arg4[%dma_wait3A_487, %dma_wait3A_488] : memref<1000000x16xf32, #tpu.memory_space<hbm>> -> memref<1000000x16xf32, #tpu.memory_space<hbm>>
      tpu.wait_indirect_dma semaphore(%arg12 : memref<!tpu.dma_semaphore, #tpu.memory_space<semaphore_mem>>) src(%dma_wait3A_489 : memref<1000000x16xf32, #tpu.memory_space<hbm>>) dst(%dma_wait3A_484 : memref<128x16xf32, #tpu.memory_space<vmem>>)
      "tpu.region"() ({
        %run_scoped3A = tpu.sem_alloc : memref<!tpu.dma_semaphore, #tpu.memory_space<semaphore_mem>>
        %dma_start3A_650 = arith.constant 0 : i32
        %dma_start3A_651 = tpu.memref_slice %arg6[%add3A_11, %dma_start3A_650] : memref<819200x16xf32, #tpu.memory_space<hbm>> -> memref<2560x16xf32, #tpu.memory_space<hbm>>
        %dma_start3A_652 = arith.constant 0 : i32
        %dma_start3A_653 = tpu.memref_slice %arg6[%add3A_11, %dma_start3A_652] : memref<819200x16xf32, #tpu.memory_space<hbm>> -> memref<2560x16xf32, #tpu.memory_space<hbm>>
        tpu.enqueue_dma source(%arg10 : memref<2560x16xf32, #tpu.memory_space<vmem>>) target(%dma_start3A_653 : memref<2560x16xf32, #tpu.memory_space<hbm>>) target_semaphore(%run_scoped3A : memref<!tpu.dma_semaphore, #tpu.memory_space<semaphore_mem>>)
        %dma_wait3A_654 = arith.constant 0 : i32
        %dma_wait3A_655 = tpu.memref_slice %arg6[%add3A_11, %dma_wait3A_654] : memref<819200x16xf32, #tpu.memory_space<hbm>> -> memref<2560x16xf32, #tpu.memory_space<hbm>>
        %dma_wait3A_656 = arith.constant 0 : i32
        %dma_wait3A_657 = tpu.memref_slice %arg6[%add3A_11, %dma_wait3A_656] : memref<819200x16xf32, #tpu.memory_space<hbm>> -> memref<2560x16xf32, #tpu.memory_space<hbm>>
        tpu.wait_dma2 semaphore(%run_scoped3A : memref<!tpu.dma_semaphore, #tpu.memory_space<semaphore_mem>>) src(%arg10 : memref<2560x16xf32, #tpu.memory_space<vmem>>) dst(%dma_wait3A_657 : memref<2560x16xf32, #tpu.memory_space<hbm>>)
        tpu.yield
      }) : () -> ()
      %dma_wait3A_490 = arith.constant 0 : i32
      %dma_wait3A_491 = arith.constant 0 : i32
      %dma_wait3A_492 = tpu.memref_slice %arg11[%dma_wait3A_490, %dma_wait3A_491] : memref<2560x16xf32, #tpu.memory_space<vmem>> -> memref<128x16xf32, #tpu.memory_space<vmem>>
      %dma_wait3A_493 = arith.constant 0 : i32
      %dma_wait3A_494 = tpu.memref_slice %arg9[%dma_wait3A_493] : memref<2560xi32, #tpu.memory_space<vmem>> -> memref<128xi32, #tpu.memory_space<vmem>>
      %dma_wait3A_495 = arith.constant 0 : i32
      %dma_wait3A_496 = arith.constant 0 : i32
      %dma_wait3A_497 = tpu.memref_slice %arg5[%dma_wait3A_495, %dma_wait3A_496] : memref<1000000x16xf32, #tpu.memory_space<hbm>> -> memref<1000000x16xf32, #tpu.memory_space<hbm>>
      tpu.wait_indirect_dma semaphore(%arg13 : memref<!tpu.dma_semaphore, #tpu.memory_space<semaphore_mem>>) src(%dma_wait3A_497 : memref<1000000x16xf32, #tpu.memory_space<hbm>>) dst(%dma_wait3A_492 : memref<128x16xf32, #tpu.memory_space<vmem>>)
      %dma_wait3A_498 = arith.constant 128 : i32
      %dma_wait3A_499 = arith.constant 0 : i32
      %dma_wait3A_500 = tpu.memref_slice %arg11[%dma_wait3A_498, %dma_wait3A_499] : memref<2560x16xf32, #tpu.memory_space<vmem>> -> memref<128x16xf32, #tpu.memory_space<vmem>>
      %dma_wait3A_501 = arith.constant 128 : i32
      %dma_wait3A_502 = tpu.memref_slice %arg9[%dma_wait3A_501] : memref<2560xi32, #tpu.memory_space<vmem>> -> memref<128xi32, #tpu.memory_space<vmem>>
      %dma_wait3A_503 = arith.constant 0 : i32
      %dma_wait3A_504 = arith.constant 0 : i32
      %dma_wait3A_505 = tpu.memref_slice %arg5[%dma_wait3A_503, %dma_wait3A_504] : memref<1000000x16xf32, #tpu.memory_space<hbm>> -> memref<1000000x16xf32, #tpu.memory_space<hbm>>
      tpu.wait_indirect_dma semaphore(%arg13 : memref<!tpu.dma_semaphore, #tpu.memory_space<semaphore_mem>>) src(%dma_wait3A_505 : memref<1000000x16xf32, #tpu.memory_space<hbm>>) dst(%dma_wait3A_500 : memref<128x16xf32, #tpu.memory_space<vmem>>)
      %dma_wait3A_506 = arith.constant 256 : i32
      %dma_wait3A_507 = arith.constant 0 : i32
      %dma_wait3A_508 = tpu.memref_slice %arg11[%dma_wait3A_506, %dma_wait3A_507] : memref<2560x16xf32, #tpu.memory_space<vmem>> -> memref<128x16xf32, #tpu.memory_space<vmem>>
      %dma_wait3A_509 = arith.constant 256 : i32
      %dma_wait3A_510 = tpu.memref_slice %arg9[%dma_wait3A_509] : memref<2560xi32, #tpu.memory_space<vmem>> -> memref<128xi32, #tpu.memory_space<vmem>>
      %dma_wait3A_511 = arith.constant 0 : i32
      %dma_wait3A_512 = arith.constant 0 : i32
      %dma_wait3A_513 = tpu.memref_slice %arg5[%dma_wait3A_511, %dma_wait3A_512] : memref<1000000x16xf32, #tpu.memory_space<hbm>> -> memref<1000000x16xf32, #tpu.memory_space<hbm>>
      tpu.wait_indirect_dma semaphore(%arg13 : memref<!tpu.dma_semaphore, #tpu.memory_space<semaphore_mem>>) src(%dma_wait3A_513 : memref<1000000x16xf32, #tpu.memory_space<hbm>>) dst(%dma_wait3A_508 : memref<128x16xf32, #tpu.memory_space<vmem>>)
      %dma_wait3A_514 = arith.constant 384 : i32
      %dma_wait3A_515 = arith.constant 0 : i32
      %dma_wait3A_516 = tpu.memref_slice %arg11[%dma_wait3A_514, %dma_wait3A_515] : memref<2560x16xf32, #tpu.memory_space<vmem>> -> memref<128x16xf32, #tpu.memory_space<vmem>>
      %dma_wait3A_517 = arith.constant 384 : i32
      %dma_wait3A_518 = tpu.memref_slice %arg9[%dma_wait3A_517] : memref<2560xi32, #tpu.memory_space<vmem>> -> memref<128xi32, #tpu.memory_space<vmem>>
      %dma_wait3A_519 = arith.constant 0 : i32
      %dma_wait3A_520 = arith.constant 0 : i32
      %dma_wait3A_521 = tpu.memref_slice %arg5[%dma_wait3A_519, %dma_wait3A_520] : memref<1000000x16xf32, #tpu.memory_space<hbm>> -> memref<1000000x16xf32, #tpu.memory_space<hbm>>
      tpu.wait_indirect_dma semaphore(%arg13 : memref<!tpu.dma_semaphore, #tpu.memory_space<semaphore_mem>>) src(%dma_wait3A_521 : memref<1000000x16xf32, #tpu.memory_space<hbm>>) dst(%dma_wait3A_516 : memref<128x16xf32, #tpu.memory_space<vmem>>)
      %dma_wait3A_522 = arith.constant 512 : i32
      %dma_wait3A_523 = arith.constant 0 : i32
      %dma_wait3A_524 = tpu.memref_slice %arg11[%dma_wait3A_522, %dma_wait3A_523] : memref<2560x16xf32, #tpu.memory_space<vmem>> -> memref<128x16xf32, #tpu.memory_space<vmem>>
      %dma_wait3A_525 = arith.constant 512 : i32
      %dma_wait3A_526 = tpu.memref_slice %arg9[%dma_wait3A_525] : memref<2560xi32, #tpu.memory_space<vmem>> -> memref<128xi32, #tpu.memory_space<vmem>>
      %dma_wait3A_527 = arith.constant 0 : i32
      %dma_wait3A_528 = arith.constant 0 : i32
      %dma_wait3A_529 = tpu.memref_slice %arg5[%dma_wait3A_527, %dma_wait3A_528] : memref<1000000x16xf32, #tpu.memory_space<hbm>> -> memref<1000000x16xf32, #tpu.memory_space<hbm>>
      tpu.wait_indirect_dma semaphore(%arg13 : memref<!tpu.dma_semaphore, #tpu.memory_space<semaphore_mem>>) src(%dma_wait3A_529 : memref<1000000x16xf32, #tpu.memory_space<hbm>>) dst(%dma_wait3A_524 : memref<128x16xf32, #tpu.memory_space<vmem>>)
      %dma_wait3A_530 = arith.constant 640 : i32
      %dma_wait3A_531 = arith.constant 0 : i32
      %dma_wait3A_532 = tpu.memref_slice %arg11[%dma_wait3A_530, %dma_wait3A_531] : memref<2560x16xf32, #tpu.memory_space<vmem>> -> memref<128x16xf32, #tpu.memory_space<vmem>>
      %dma_wait3A_533 = arith.constant 640 : i32
      %dma_wait3A_534 = tpu.memref_slice %arg9[%dma_wait3A_533] : memref<2560xi32, #tpu.memory_space<vmem>> -> memref<128xi32, #tpu.memory_space<vmem>>
      %dma_wait3A_535 = arith.constant 0 : i32
      %dma_wait3A_536 = arith.constant 0 : i32
      %dma_wait3A_537 = tpu.memref_slice %arg5[%dma_wait3A_535, %dma_wait3A_536] : memref<1000000x16xf32, #tpu.memory_space<hbm>> -> memref<1000000x16xf32, #tpu.memory_space<hbm>>
      tpu.wait_indirect_dma semaphore(%arg13 : memref<!tpu.dma_semaphore, #tpu.memory_space<semaphore_mem>>) src(%dma_wait3A_537 : memref<1000000x16xf32, #tpu.memory_space<hbm>>) dst(%dma_wait3A_532 : memref<128x16xf32, #tpu.memory_space<vmem>>)
      %dma_wait3A_538 = arith.constant 768 : i32
      %dma_wait3A_539 = arith.constant 0 : i32
      %dma_wait3A_540 = tpu.memref_slice %arg11[%dma_wait3A_538, %dma_wait3A_539] : memref<2560x16xf32, #tpu.memory_space<vmem>> -> memref<128x16xf32, #tpu.memory_space<vmem>>
      %dma_wait3A_541 = arith.constant 768 : i32
      %dma_wait3A_542 = tpu.memref_slice %arg9[%dma_wait3A_541] : memref<2560xi32, #tpu.memory_space<vmem>> -> memref<128xi32, #tpu.memory_space<vmem>>
      %dma_wait3A_543 = arith.constant 0 : i32
      %dma_wait3A_544 = arith.constant 0 : i32
      %dma_wait3A_545 = tpu.memref_slice %arg5[%dma_wait3A_543, %dma_wait3A_544] : memref<1000000x16xf32, #tpu.memory_space<hbm>> -> memref<1000000x16xf32, #tpu.memory_space<hbm>>
      tpu.wait_indirect_dma semaphore(%arg13 : memref<!tpu.dma_semaphore, #tpu.memory_space<semaphore_mem>>) src(%dma_wait3A_545 : memref<1000000x16xf32, #tpu.memory_space<hbm>>) dst(%dma_wait3A_540 : memref<128x16xf32, #tpu.memory_space<vmem>>)
      %dma_wait3A_546 = arith.constant 896 : i32
      %dma_wait3A_547 = arith.constant 0 : i32
      %dma_wait3A_548 = tpu.memref_slice %arg11[%dma_wait3A_546, %dma_wait3A_547] : memref<2560x16xf32, #tpu.memory_space<vmem>> -> memref<128x16xf32, #tpu.memory_space<vmem>>
      %dma_wait3A_549 = arith.constant 896 : i32
      %dma_wait3A_550 = tpu.memref_slice %arg9[%dma_wait3A_549] : memref<2560xi32, #tpu.memory_space<vmem>> -> memref<128xi32, #tpu.memory_space<vmem>>
      %dma_wait3A_551 = arith.constant 0 : i32
      %dma_wait3A_552 = arith.constant 0 : i32
      %dma_wait3A_553 = tpu.memref_slice %arg5[%dma_wait3A_551, %dma_wait3A_552] : memref<1000000x16xf32, #tpu.memory_space<hbm>> -> memref<1000000x16xf32, #tpu.memory_space<hbm>>
      tpu.wait_indirect_dma semaphore(%arg13 : memref<!tpu.dma_semaphore, #tpu.memory_space<semaphore_mem>>) src(%dma_wait3A_553 : memref<1000000x16xf32, #tpu.memory_space<hbm>>) dst(%dma_wait3A_548 : memref<128x16xf32, #tpu.memory_space<vmem>>)
      %dma_wait3A_554 = arith.constant 1024 : i32
      %dma_wait3A_555 = arith.constant 0 : i32
      %dma_wait3A_556 = tpu.memref_slice %arg11[%dma_wait3A_554, %dma_wait3A_555] : memref<2560x16xf32, #tpu.memory_space<vmem>> -> memref<128x16xf32, #tpu.memory_space<vmem>>
      %dma_wait3A_557 = arith.constant 1024 : i32
      %dma_wait3A_558 = tpu.memref_slice %arg9[%dma_wait3A_557] : memref<2560xi32, #tpu.memory_space<vmem>> -> memref<128xi32, #tpu.memory_space<vmem>>
      %dma_wait3A_559 = arith.constant 0 : i32
      %dma_wait3A_560 = arith.constant 0 : i32
      %dma_wait3A_561 = tpu.memref_slice %arg5[%dma_wait3A_559, %dma_wait3A_560] : memref<1000000x16xf32, #tpu.memory_space<hbm>> -> memref<1000000x16xf32, #tpu.memory_space<hbm>>
      tpu.wait_indirect_dma semaphore(%arg13 : memref<!tpu.dma_semaphore, #tpu.memory_space<semaphore_mem>>) src(%dma_wait3A_561 : memref<1000000x16xf32, #tpu.memory_space<hbm>>) dst(%dma_wait3A_556 : memref<128x16xf32, #tpu.memory_space<vmem>>)
      %dma_wait3A_562 = arith.constant 1152 : i32
      %dma_wait3A_563 = arith.constant 0 : i32
      %dma_wait3A_564 = tpu.memref_slice %arg11[%dma_wait3A_562, %dma_wait3A_563] : memref<2560x16xf32, #tpu.memory_space<vmem>> -> memref<128x16xf32, #tpu.memory_space<vmem>>
      %dma_wait3A_565 = arith.constant 1152 : i32
      %dma_wait3A_566 = tpu.memref_slice %arg9[%dma_wait3A_565] : memref<2560xi32, #tpu.memory_space<vmem>> -> memref<128xi32, #tpu.memory_space<vmem>>
      %dma_wait3A_567 = arith.constant 0 : i32
      %dma_wait3A_568 = arith.constant 0 : i32
      %dma_wait3A_569 = tpu.memref_slice %arg5[%dma_wait3A_567, %dma_wait3A_568] : memref<1000000x16xf32, #tpu.memory_space<hbm>> -> memref<1000000x16xf32, #tpu.memory_space<hbm>>
      tpu.wait_indirect_dma semaphore(%arg13 : memref<!tpu.dma_semaphore, #tpu.memory_space<semaphore_mem>>) src(%dma_wait3A_569 : memref<1000000x16xf32, #tpu.memory_space<hbm>>) dst(%dma_wait3A_564 : memref<128x16xf32, #tpu.memory_space<vmem>>)
      %dma_wait3A_570 = arith.constant 1280 : i32
      %dma_wait3A_571 = arith.constant 0 : i32
      %dma_wait3A_572 = tpu.memref_slice %arg11[%dma_wait3A_570, %dma_wait3A_571] : memref<2560x16xf32, #tpu.memory_space<vmem>> -> memref<128x16xf32, #tpu.memory_space<vmem>>
      %dma_wait3A_573 = arith.constant 1280 : i32
      %dma_wait3A_574 = tpu.memref_slice %arg9[%dma_wait3A_573] : memref<2560xi32, #tpu.memory_space<vmem>> -> memref<128xi32, #tpu.memory_space<vmem>>
      %dma_wait3A_575 = arith.constant 0 : i32
      %dma_wait3A_576 = arith.constant 0 : i32
      %dma_wait3A_577 = tpu.memref_slice %arg5[%dma_wait3A_575, %dma_wait3A_576] : memref<1000000x16xf32, #tpu.memory_space<hbm>> -> memref<1000000x16xf32, #tpu.memory_space<hbm>>
      tpu.wait_indirect_dma semaphore(%arg13 : memref<!tpu.dma_semaphore, #tpu.memory_space<semaphore_mem>>) src(%dma_wait3A_577 : memref<1000000x16xf32, #tpu.memory_space<hbm>>) dst(%dma_wait3A_572 : memref<128x16xf32, #tpu.memory_space<vmem>>)
      %dma_wait3A_578 = arith.constant 1408 : i32
      %dma_wait3A_579 = arith.constant 0 : i32
      %dma_wait3A_580 = tpu.memref_slice %arg11[%dma_wait3A_578, %dma_wait3A_579] : memref<2560x16xf32, #tpu.memory_space<vmem>> -> memref<128x16xf32, #tpu.memory_space<vmem>>
      %dma_wait3A_581 = arith.constant 1408 : i32
      %dma_wait3A_582 = tpu.memref_slice %arg9[%dma_wait3A_581] : memref<2560xi32, #tpu.memory_space<vmem>> -> memref<128xi32, #tpu.memory_space<vmem>>
      %dma_wait3A_583 = arith.constant 0 : i32
      %dma_wait3A_584 = arith.constant 0 : i32
      %dma_wait3A_585 = tpu.memref_slice %arg5[%dma_wait3A_583, %dma_wait3A_584] : memref<1000000x16xf32, #tpu.memory_space<hbm>> -> memref<1000000x16xf32, #tpu.memory_space<hbm>>
      tpu.wait_indirect_dma semaphore(%arg13 : memref<!tpu.dma_semaphore, #tpu.memory_space<semaphore_mem>>) src(%dma_wait3A_585 : memref<1000000x16xf32, #tpu.memory_space<hbm>>) dst(%dma_wait3A_580 : memref<128x16xf32, #tpu.memory_space<vmem>>)
      %dma_wait3A_586 = arith.constant 1536 : i32
      %dma_wait3A_587 = arith.constant 0 : i32
      %dma_wait3A_588 = tpu.memref_slice %arg11[%dma_wait3A_586, %dma_wait3A_587] : memref<2560x16xf32, #tpu.memory_space<vmem>> -> memref<128x16xf32, #tpu.memory_space<vmem>>
      %dma_wait3A_589 = arith.constant 1536 : i32
      %dma_wait3A_590 = tpu.memref_slice %arg9[%dma_wait3A_589] : memref<2560xi32, #tpu.memory_space<vmem>> -> memref<128xi32, #tpu.memory_space<vmem>>
      %dma_wait3A_591 = arith.constant 0 : i32
      %dma_wait3A_592 = arith.constant 0 : i32
      %dma_wait3A_593 = tpu.memref_slice %arg5[%dma_wait3A_591, %dma_wait3A_592] : memref<1000000x16xf32, #tpu.memory_space<hbm>> -> memref<1000000x16xf32, #tpu.memory_space<hbm>>
      tpu.wait_indirect_dma semaphore(%arg13 : memref<!tpu.dma_semaphore, #tpu.memory_space<semaphore_mem>>) src(%dma_wait3A_593 : memref<1000000x16xf32, #tpu.memory_space<hbm>>) dst(%dma_wait3A_588 : memref<128x16xf32, #tpu.memory_space<vmem>>)
      %dma_wait3A_594 = arith.constant 1664 : i32
      %dma_wait3A_595 = arith.constant 0 : i32
      %dma_wait3A_596 = tpu.memref_slice %arg11[%dma_wait3A_594, %dma_wait3A_595] : memref<2560x16xf32, #tpu.memory_space<vmem>> -> memref<128x16xf32, #tpu.memory_space<vmem>>
      %dma_wait3A_597 = arith.constant 1664 : i32
      %dma_wait3A_598 = tpu.memref_slice %arg9[%dma_wait3A_597] : memref<2560xi32, #tpu.memory_space<vmem>> -> memref<128xi32, #tpu.memory_space<vmem>>
      %dma_wait3A_599 = arith.constant 0 : i32
      %dma_wait3A_600 = arith.constant 0 : i32
      %dma_wait3A_601 = tpu.memref_slice %arg5[%dma_wait3A_599, %dma_wait3A_600] : memref<1000000x16xf32, #tpu.memory_space<hbm>> -> memref<1000000x16xf32, #tpu.memory_space<hbm>>
      tpu.wait_indirect_dma semaphore(%arg13 : memref<!tpu.dma_semaphore, #tpu.memory_space<semaphore_mem>>) src(%dma_wait3A_601 : memref<1000000x16xf32, #tpu.memory_space<hbm>>) dst(%dma_wait3A_596 : memref<128x16xf32, #tpu.memory_space<vmem>>)
      %dma_wait3A_602 = arith.constant 1792 : i32
      %dma_wait3A_603 = arith.constant 0 : i32
      %dma_wait3A_604 = tpu.memref_slice %arg11[%dma_wait3A_602, %dma_wait3A_603] : memref<2560x16xf32, #tpu.memory_space<vmem>> -> memref<128x16xf32, #tpu.memory_space<vmem>>
      %dma_wait3A_605 = arith.constant 1792 : i32
      %dma_wait3A_606 = tpu.memref_slice %arg9[%dma_wait3A_605] : memref<2560xi32, #tpu.memory_space<vmem>> -> memref<128xi32, #tpu.memory_space<vmem>>
      %dma_wait3A_607 = arith.constant 0 : i32
      %dma_wait3A_608 = arith.constant 0 : i32
      %dma_wait3A_609 = tpu.memref_slice %arg5[%dma_wait3A_607, %dma_wait3A_608] : memref<1000000x16xf32, #tpu.memory_space<hbm>> -> memref<1000000x16xf32, #tpu.memory_space<hbm>>
      tpu.wait_indirect_dma semaphore(%arg13 : memref<!tpu.dma_semaphore, #tpu.memory_space<semaphore_mem>>) src(%dma_wait3A_609 : memref<1000000x16xf32, #tpu.memory_space<hbm>>) dst(%dma_wait3A_604 : memref<128x16xf32, #tpu.memory_space<vmem>>)
      %dma_wait3A_610 = arith.constant 1920 : i32
      %dma_wait3A_611 = arith.constant 0 : i32
      %dma_wait3A_612 = tpu.memref_slice %arg11[%dma_wait3A_610, %dma_wait3A_611] : memref<2560x16xf32, #tpu.memory_space<vmem>> -> memref<128x16xf32, #tpu.memory_space<vmem>>
      %dma_wait3A_613 = arith.constant 1920 : i32
      %dma_wait3A_614 = tpu.memref_slice %arg9[%dma_wait3A_613] : memref<2560xi32, #tpu.memory_space<vmem>> -> memref<128xi32, #tpu.memory_space<vmem>>
      %dma_wait3A_615 = arith.constant 0 : i32
      %dma_wait3A_616 = arith.constant 0 : i32
      %dma_wait3A_617 = tpu.memref_slice %arg5[%dma_wait3A_615, %dma_wait3A_616] : memref<1000000x16xf32, #tpu.memory_space<hbm>> -> memref<1000000x16xf32, #tpu.memory_space<hbm>>
      tpu.wait_indirect_dma semaphore(%arg13 : memref<!tpu.dma_semaphore, #tpu.memory_space<semaphore_mem>>) src(%dma_wait3A_617 : memref<1000000x16xf32, #tpu.memory_space<hbm>>) dst(%dma_wait3A_612 : memref<128x16xf32, #tpu.memory_space<vmem>>)
      %dma_wait3A_618 = arith.constant 2048 : i32
      %dma_wait3A_619 = arith.constant 0 : i32
      %dma_wait3A_620 = tpu.memref_slice %arg11[%dma_wait3A_618, %dma_wait3A_619] : memref<2560x16xf32, #tpu.memory_space<vmem>> -> memref<128x16xf32, #tpu.memory_space<vmem>>
      %dma_wait3A_621 = arith.constant 2048 : i32
      %dma_wait3A_622 = tpu.memref_slice %arg9[%dma_wait3A_621] : memref<2560xi32, #tpu.memory_space<vmem>> -> memref<128xi32, #tpu.memory_space<vmem>>
      %dma_wait3A_623 = arith.constant 0 : i32
      %dma_wait3A_624 = arith.constant 0 : i32
      %dma_wait3A_625 = tpu.memref_slice %arg5[%dma_wait3A_623, %dma_wait3A_624] : memref<1000000x16xf32, #tpu.memory_space<hbm>> -> memref<1000000x16xf32, #tpu.memory_space<hbm>>
      tpu.wait_indirect_dma semaphore(%arg13 : memref<!tpu.dma_semaphore, #tpu.memory_space<semaphore_mem>>) src(%dma_wait3A_625 : memref<1000000x16xf32, #tpu.memory_space<hbm>>) dst(%dma_wait3A_620 : memref<128x16xf32, #tpu.memory_space<vmem>>)
      %dma_wait3A_626 = arith.constant 2176 : i32
      %dma_wait3A_627 = arith.constant 0 : i32
      %dma_wait3A_628 = tpu.memref_slice %arg11[%dma_wait3A_626, %dma_wait3A_627] : memref<2560x16xf32, #tpu.memory_space<vmem>> -> memref<128x16xf32, #tpu.memory_space<vmem>>
      %dma_wait3A_629 = arith.constant 2176 : i32
      %dma_wait3A_630 = tpu.memref_slice %arg9[%dma_wait3A_629] : memref<2560xi32, #tpu.memory_space<vmem>> -> memref<128xi32, #tpu.memory_space<vmem>>
      %dma_wait3A_631 = arith.constant 0 : i32
      %dma_wait3A_632 = arith.constant 0 : i32
      %dma_wait3A_633 = tpu.memref_slice %arg5[%dma_wait3A_631, %dma_wait3A_632] : memref<1000000x16xf32, #tpu.memory_space<hbm>> -> memref<1000000x16xf32, #tpu.memory_space<hbm>>
      tpu.wait_indirect_dma semaphore(%arg13 : memref<!tpu.dma_semaphore, #tpu.memory_space<semaphore_mem>>) src(%dma_wait3A_633 : memref<1000000x16xf32, #tpu.memory_space<hbm>>) dst(%dma_wait3A_628 : memref<128x16xf32, #tpu.memory_space<vmem>>)
      %dma_wait3A_634 = arith.constant 2304 : i32
      %dma_wait3A_635 = arith.constant 0 : i32
      %dma_wait3A_636 = tpu.memref_slice %arg11[%dma_wait3A_634, %dma_wait3A_635] : memref<2560x16xf32, #tpu.memory_space<vmem>> -> memref<128x16xf32, #tpu.memory_space<vmem>>
      %dma_wait3A_637 = arith.constant 2304 : i32
      %dma_wait3A_638 = tpu.memref_slice %arg9[%dma_wait3A_637] : memref<2560xi32, #tpu.memory_space<vmem>> -> memref<128xi32, #tpu.memory_space<vmem>>
      %dma_wait3A_639 = arith.constant 0 : i32
      %dma_wait3A_640 = arith.constant 0 : i32
      %dma_wait3A_641 = tpu.memref_slice %arg5[%dma_wait3A_639, %dma_wait3A_640] : memref<1000000x16xf32, #tpu.memory_space<hbm>> -> memref<1000000x16xf32, #tpu.memory_space<hbm>>
      tpu.wait_indirect_dma semaphore(%arg13 : memref<!tpu.dma_semaphore, #tpu.memory_space<semaphore_mem>>) src(%dma_wait3A_641 : memref<1000000x16xf32, #tpu.memory_space<hbm>>) dst(%dma_wait3A_636 : memref<128x16xf32, #tpu.memory_space<vmem>>)
      %dma_wait3A_642 = arith.constant 2432 : i32
      %dma_wait3A_643 = arith.constant 0 : i32
      %dma_wait3A_644 = tpu.memref_slice %arg11[%dma_wait3A_642, %dma_wait3A_643] : memref<2560x16xf32, #tpu.memory_space<vmem>> -> memref<128x16xf32, #tpu.memory_space<vmem>>
      %dma_wait3A_645 = arith.constant 2432 : i32
      %dma_wait3A_646 = tpu.memref_slice %arg9[%dma_wait3A_645] : memref<2560xi32, #tpu.memory_space<vmem>> -> memref<128xi32, #tpu.memory_space<vmem>>
      %dma_wait3A_647 = arith.constant 0 : i32
      %dma_wait3A_648 = arith.constant 0 : i32
      %dma_wait3A_649 = tpu.memref_slice %arg5[%dma_wait3A_647, %dma_wait3A_648] : memref<1000000x16xf32, #tpu.memory_space<hbm>> -> memref<1000000x16xf32, #tpu.memory_space<hbm>>
      tpu.wait_indirect_dma semaphore(%arg13 : memref<!tpu.dma_semaphore, #tpu.memory_space<semaphore_mem>>) src(%dma_wait3A_649 : memref<1000000x16xf32, #tpu.memory_space<hbm>>) dst(%dma_wait3A_644 : memref<128x16xf32, #tpu.memory_space<vmem>>)
      "tpu.region"() ({
        %run_scoped3A = tpu.sem_alloc : memref<!tpu.dma_semaphore, #tpu.memory_space<semaphore_mem>>
        %dma_start3A_650 = arith.constant 0 : i32
        %dma_start3A_651 = tpu.memref_slice %arg7[%add3A_11, %dma_start3A_650] : memref<819200x16xf32, #tpu.memory_space<hbm>> -> memref<2560x16xf32, #tpu.memory_space<hbm>>
        %dma_start3A_652 = arith.constant 0 : i32
        %dma_start3A_653 = tpu.memref_slice %arg7[%add3A_11, %dma_start3A_652] : memref<819200x16xf32, #tpu.memory_space<hbm>> -> memref<2560x16xf32, #tpu.memory_space<hbm>>
        tpu.enqueue_dma source(%arg11 : memref<2560x16xf32, #tpu.memory_space<vmem>>) target(%dma_start3A_653 : memref<2560x16xf32, #tpu.memory_space<hbm>>) target_semaphore(%run_scoped3A : memref<!tpu.dma_semaphore, #tpu.memory_space<semaphore_mem>>)
        %dma_wait3A_654 = arith.constant 0 : i32
        %dma_wait3A_655 = tpu.memref_slice %arg7[%add3A_11, %dma_wait3A_654] : memref<819200x16xf32, #tpu.memory_space<hbm>> -> memref<2560x16xf32, #tpu.memory_space<hbm>>
        %dma_wait3A_656 = arith.constant 0 : i32
        %dma_wait3A_657 = tpu.memref_slice %arg7[%add3A_11, %dma_wait3A_656] : memref<819200x16xf32, #tpu.memory_space<hbm>> -> memref<2560x16xf32, #tpu.memory_space<hbm>>
        tpu.wait_dma2 semaphore(%run_scoped3A : memref<!tpu.dma_semaphore, #tpu.memory_space<semaphore_mem>>) src(%arg11 : memref<2560x16xf32, #tpu.memory_space<vmem>>) dst(%dma_wait3A_657 : memref<2560x16xf32, #tpu.memory_space<hbm>>)
        tpu.yield
      }) : () -> ()
    }
    %scan3A_7 = arith.constant 10 : i32
    return
  }
}

module attributes {stable_mosaic.version = 14 : i64} {
  func.func @_proj_body(%arg0: i32, %arg1: memref<512x128xf32, #tpu.memory_space<vmem>>, %arg2: memref<512x128xf32, #tpu.memory_space<vmem>>, %arg3: memref<512x16xf32, #tpu.memory_space<vmem>>, %arg4: memref<128x512xf32, #tpu.memory_space<vmem>>, %arg5: memref<128x512xf32, #tpu.memory_space<vmem>>, %arg6: memref<16x512xf32, #tpu.memory_space<vmem>>, %arg7: memref<1x512xf32, #tpu.memory_space<vmem>>, %arg8: memref<512x512xf32, #tpu.memory_space<vmem>>) attributes {dimension_semantics = [#tpu.dimension_semantics<arbitrary>], iteration_bounds = array<i64: 200>, scalar_prefetch = 0 : i64, scratch_operands = 0 : i64, tpu.core_type = #tpu.core_type<tc>, window_params = [{transform_indices = @transform_0, window_bounds = array<i64: 512, 128>}, {transform_indices = @transform_1, window_bounds = array<i64: 512, 128>}, {transform_indices = @transform_2, window_bounds = array<i64: 512, 16>}, {pipeline_mode = #tpu.pipeline_mode<synchronous>, transform_indices = @transform_3, window_bounds = array<i64: 128, 512>}, {pipeline_mode = #tpu.pipeline_mode<synchronous>, transform_indices = @transform_4, window_bounds = array<i64: 128, 512>}, {pipeline_mode = #tpu.pipeline_mode<synchronous>, transform_indices = @transform_5, window_bounds = array<i64: 16, 512>}, {pipeline_mode = #tpu.pipeline_mode<synchronous>, transform_indices = @transform_6, window_bounds = array<i64: 1, 512>}, {transform_indices = @transform_7, window_bounds = array<i64: 512, 512>}]} {
    %get3A = arith.constant 0 : index
    %get3A_0 = arith.constant 0 : index
    %get3A_1 = vector.load %arg1[%get3A, %get3A_0] : memref<512x128xf32, #tpu.memory_space<vmem>>, vector<512x128xf32>
    %get3A_2 = arith.constant 0 : index
    %get3A_3 = arith.constant 0 : index
    %get3A_4 = vector.load %arg4[%get3A_2, %get3A_3] : memref<128x512xf32, #tpu.memory_space<vmem>>, vector<128x512xf32>
    %dot_general3A = arith.constant dense<0.000000e+00> : vector<512x512xf32>
    %dot_general3A_5 = tpu.matmul %get3A_1, %get3A_4, %dot_general3A {dimension_numbers = #tpu.dot_dimension_numbers<[1], [0], [0], [1], [0, 0, 1, 1], [], []>, transpose_lhs_hint = false} : vector<512x128xf32>, vector<128x512xf32>, vector<512x512xf32> -> vector<512x512xf32>
    %get3A_6 = arith.constant 0 : index
    %get3A_7 = arith.constant 0 : index
    %get3A_8 = vector.load %arg2[%get3A_6, %get3A_7] : memref<512x128xf32, #tpu.memory_space<vmem>>, vector<512x128xf32>
    %get3A_9 = arith.constant 0 : index
    %get3A_10 = arith.constant 0 : index
    %get3A_11 = vector.load %arg5[%get3A_9, %get3A_10] : memref<128x512xf32, #tpu.memory_space<vmem>>, vector<128x512xf32>
    %dot_general3A_12 = arith.constant dense<0.000000e+00> : vector<512x512xf32>
    %dot_general3A_13 = tpu.matmul %get3A_8, %get3A_11, %dot_general3A_12 {dimension_numbers = #tpu.dot_dimension_numbers<[1], [0], [0], [1], [0, 0, 1, 1], [], []>, transpose_lhs_hint = false} : vector<512x128xf32>, vector<128x512xf32>, vector<512x512xf32> -> vector<512x512xf32>
    %add3A = arith.addf %dot_general3A_5, %dot_general3A_13 : vector<512x512xf32>
    %get3A_14 = arith.constant 0 : index
    %get3A_15 = arith.constant 0 : index
    %get3A_16 = vector.load %arg3[%get3A_14, %get3A_15] : memref<512x16xf32, #tpu.memory_space<vmem>>, vector<512x16xf32>
    %get3A_17 = arith.constant 0 : index
    %get3A_18 = arith.constant 0 : index
    %get3A_19 = vector.load %arg6[%get3A_17, %get3A_18] : memref<16x512xf32, #tpu.memory_space<vmem>>, vector<16x512xf32>
    %dot_general3A_20 = arith.constant dense<0.000000e+00> : vector<512x512xf32>
    %dot_general3A_21 = tpu.matmul %get3A_16, %get3A_19, %dot_general3A_20 {dimension_numbers = #tpu.dot_dimension_numbers<[1], [0], [0], [1], [0, 0, 1, 1], [], []>, transpose_lhs_hint = false} : vector<512x16xf32>, vector<16x512xf32>, vector<512x512xf32> -> vector<512x512xf32>
    %add3A_22 = arith.addf %add3A, %dot_general3A_21 : vector<512x512xf32>
    %get3A_23 = arith.constant 0 : index
    %get3A_24 = arith.constant 0 : index
    %get3A_25 = vector.load %arg7[%get3A_23, %get3A_24] : memref<1x512xf32, #tpu.memory_space<vmem>>, vector<1x512xf32>
    %add3A_26 = vector.broadcast %get3A_25 : vector<1x512xf32> to vector<512x512xf32>
    %add3A_27 = arith.addf %add3A_22, %add3A_26 : vector<512x512xf32>
    %swap3A = arith.constant 0 : index
    %swap3A_28 = arith.constant 0 : index
    %swap3A_29 = vector.load %arg8[%swap3A, %swap3A_28] : memref<512x512xf32, #tpu.memory_space<vmem>>, vector<512x512xf32>
    tpu.vector_store %arg8[%swap3A, %swap3A_28], %add3A_27 {strides = array<i32>} : memref<512x512xf32, #tpu.memory_space<vmem>>, vector<512x512xf32>,
    return
  }
  func.func @transform_0(%arg0: i32) -> (i32, i32) {
    %c0_i32 = arith.constant 0 : i32
    %c0_i32_0 = arith.constant 0 : i32
    return %arg0, %c0_i32 : i32, i32
  }
  func.func @transform_1(%arg0: i32) -> (i32, i32) {
    %c0_i32 = arith.constant 0 : i32
    %c0_i32_0 = arith.constant 0 : i32
    return %arg0, %c0_i32 : i32, i32
  }
  func.func @transform_2(%arg0: i32) -> (i32, i32) {
    %c0_i32 = arith.constant 0 : i32
    %c0_i32_0 = arith.constant 0 : i32
    return %arg0, %c0_i32 : i32, i32
  }
  func.func @transform_3(%arg0: i32) -> (i32, i32) {
    %c0_i32 = arith.constant 0 : i32
    %c0_i32_0 = arith.constant 0 : i32
    %c0_i32_1 = arith.constant 0 : i32
    return %c0_i32, %c0_i32_0 : i32, i32
  }
  func.func @transform_4(%arg0: i32) -> (i32, i32) {
    %c0_i32 = arith.constant 0 : i32
    %c0_i32_0 = arith.constant 0 : i32
    %c0_i32_1 = arith.constant 0 : i32
    return %c0_i32, %c0_i32_0 : i32, i32
  }
  func.func @transform_5(%arg0: i32) -> (i32, i32) {
    %c0_i32 = arith.constant 0 : i32
    %c0_i32_0 = arith.constant 0 : i32
    %c0_i32_1 = arith.constant 0 : i32
    return %c0_i32, %c0_i32_0 : i32, i32
  }
  func.func @transform_6(%arg0: i32) -> (i32, i32) {
    %c0_i32 = arith.constant 0 : i32
    %c0_i32_0 = arith.constant 0 : i32
    %c0_i32_1 = arith.constant 0 : i32
    return %c0_i32, %c0_i32_0 : i32, i32
  }
  func.func @transform_7(%arg0: i32) -> (i32, i32) {
    %c0_i32 = arith.constant 0 : i32
    %c0_i32_0 = arith.constant 0 : i32
    return %arg0, %c0_i32 : i32, i32
  }
}

</mosaic_0001>

<sc_bundles>
// kernel: kernel.4.cloned.1.call-start
scs
__scs_entry_jumppad:
0x0: {  	(pc) =	sbr.rel $0x88, $3  }
0x1: {  	(tag) =	ssettag $0x0;
	lr =	simm.s32 $0x1  }
0x2: {  	[smem:$0x3F9C] =	sst lr;
	_ =	strace $0xD0000000  }
0x3: {  	_ = 	snop  }
0x4: {  	_ = 	snop  }
0x5: {  	_ = 	snop  }
0x6: {  	_ = 	snop  }
0x7: {  	_ = 	snop  }
__scs_overlays_trampoline_lowered:
0x8: {  	[smem:$0x3FAB] =	sst s0  }
0x9: {  	[smem:$0x3FAC] =	sst s1  }
0xa: {  	[smem:$0x3FAD] =	sst s2  }
0xb: {  	[smem:$0x3FAE] =	sst s3  }
0xc: {  	[smem:$0x3FAF] =	sst s4  }
0xd: {  	[smem:$0x3FB0] =	sst s5  }
0xe: {  	[smem:$0x3FB1] =	sst s6  }
0xf: {  	[smem:$0x3FB2] =	sst s7  }
0x10: {  	[smem:$0x3FB3] =	sst s8  }
0x11: {  	[smem:$0x3FB4] =	sst s9;
	s0 =	simm.s32 @!p0 $0x0  }
0x12: {  	s1 =	sld [smem:$0x3F9A];
	s0 =	simm.s32 @p0 $0x1  }
0x13: {  	[smem:$0x3FB5] =	sst s0;
	s0 =	simm.s32 @!p1 $0x0  }
0x14: {  	s2 =	sld [smem:$0x3F99];
	s0 =	simm.s32 @p1 $0x1  }
0x15: {  	[smem:$0x3FB6] =	sst s0;
	s0 =	simm.s32 @!p2 $0x0  }
0x16: {  	s3 =	sld [smem:$0x3FDB];
	s0 =	simm.s32 @p2 $0x1  }
0x17: {  	s4 =	simm.s32 $0x1BF5;
	[smem:$0x3FB8] =	sst s0  }
0x18: {  	s0 =	sld [smem:$0x3F9B];
	_ =	swait.ge [sflag:s4], $0x0  }
0x19: {  	s7 =	sld [smem:$0x3F9C]  }
0x1a: {  	s8 =	sadd.s32 $0xFFFFE003, lr  }
0x1b: {  	s9 =	sadd.s32 $0xFFFFFEF7, lr;
	s5 =	simm.s32 $0xFFFFFFFF;
	p2 =	slt.u32 s8, $0xFFFFF086  }
0x1c: {  	p1 =	slt.u32 s9, $0xF7A;
	s5 =	simm.s32 @!p2 $0x0  }
0x1d: {  	s5 =	simm.s32 @p1 $0x1;
	p0 =	seq.s32 s7, s2  }
0x1e: {  	s7 =	smul.u32 @!p0 $0xF7A, s2;
	p2 =	seq.s32 @!p0 s5, $0x0  }
0x1f: {  	s9 =	smul.u32 $0xF7A, s1;
	s8 =	simm.s32 @!p0 $0x1BF5;
	p2 =	por !p2, p0  }
0x20: {  	[sflag:s8] =	ssyncset.s32 @!p0 $0xFFFFF086;
	s6 =	sadd.s32 @!p0 s3, s7;
	s7 =	simm.s32 @!p0 $0x108  }
0x21: {  	s3 =	sadd.s32 s3, s9;
	s6 =	sadd.s32 @!p0 $0x88, s6;
	s7 =	simm.s32 @p2 $0x1082  }
0x22: {  	[simem:s7], [sflag:s8] =	dma.local @!p0 [hbm:s6], $0xF7A  }
0x23: {  	s9 =	sor.u32 $0xD0000000, s2;
	s6 =	simm.s32 $0x108;
	_ =	swait.ge @!p0 [sflag:s8], $0x0  }
0x24: {  	s3 =	sadd.s32 $0x88, s3;
	s6 =	simm.s32 @!p1 $0x1082;
	[sflag:s4] =	ssyncset.s32 $0xFFFFF086  }
0x25: {  	[simem:s6], [sflag:s4] =	dma.local [hbm:s3], $0xF7A  }
0x26: {  	[smem:$0x3F9C] =	sst s1;
	(tag) =	ssettag s2;
	_ =	strace s9  }
0x27: {  	s1 =	sld [smem:$0x3FAC]  }
0x28: {  	s2 =	sld [smem:$0x3FAD]  }
0x29: {  	s4 =	sld [smem:$0x3FAF]  }
0x2a: {  	p0 =	seq.s32 s5, $0x0;
	s5 =	sld [smem:$0x3FB0]  }
0x2b: {  	s6 =	sld [smem:$0x3FB1]  }
0x2c: {  	s7 =	sld [smem:$0x3FB2]  }
0x2d: {  	s3 =	simm.s32 $0x108;
	s8 =	sld [smem:$0x3FB3]  }
0x2e: {  	s3 =	simm.s32 @!p0 $0x1082;
	s9 =	sld [smem:$0x3FB4]  }
0x2f: {  	lr =	sadd.s32 s0, s3;
	s0 =	sld [smem:$0x3FAB]  }
0x30: {  	s3 =	sld [smem:$0x3FAE]  }
0x31: {  	[smem:$0x3FB7] =	sst s10  }
0x32: {  	s10 =	sld [smem:$0x3FB5];
	_ =	sdelay $0x3  }
0x33: {  	p0 =	seq.s32 s10, $0x1;
	s10 =	sld [smem:$0x3FB7];
	_ =	sdelay $0x3  }
0x34: {  	[smem:$0x3FB7] =	sst s10  }
0x35: {  	s10 =	sld [smem:$0x3FB6];
	_ =	sdelay $0x3  }
0x36: {  	p1 =	seq.s32 s10, $0x1;
	s10 =	sld [smem:$0x3FB7];
	_ =	sdelay $0x3  }
0x37: {  	[smem:$0x3FB7] =	sst s10  }
0x38: {  	s10 =	sld [smem:$0x3FB8]  }
0x39: {  	_ = 	snop;
	(pc) =	sbr.ind lr, $3  }
0x3a: {  	_ = 	snop  }
0x3b: {  	_ = 	snop  }
0x3c: {  	p2 =	seq.s32 s10, $0x1;
	s10 =	sld [smem:$0x3FB7]  }
0x3d: {  	_ =	shalt  }
0x3e: {  	_ =	shalt  }
0x3f: {  	_ =	shalt  }
0x40: {  	_ =	shalt  }
0x41: {  	_ =	shalt  }
0x42: {  	_ =	shalt  }
0x43: {  	_ =	shalt  }
0x44: {  	_ =	shalt  }
0x45: {  	_ =	shalt  }
0x46: {  	_ =	shalt  }
0x47: {  	_ =	shalt  }
0x48: {  	_ =	shalt  }
0x49: {  	_ =	shalt  }
0x4a: {  	_ =	shalt  }
0x4b: {  	_ =	shalt  }
0x4c: {  	_ =	shalt  }
0x4d: {  	_ =	shalt  }
0x4e: {  	_ =	shalt  }
0x4f: {  	_ =	shalt  }
0x50: {  	_ =	shalt  }
0x51: {  	_ =	shalt  }
0x52: {  	_ =	shalt  }
0x53: {  	_ =	shalt  }
0x54: {  	_ =	shalt  }
0x55: {  	_ =	shalt  }
0x56: {  	_ =	shalt  }
0x57: {  	_ =	shalt  }
0x58: {  	_ =	shalt  }
0x59: {  	_ =	shalt  }
0x5a: {  	_ =	shalt  }
0x5b: {  	_ =	shalt  }
0x5c: {  	_ =	shalt  }
0x5d: {  	_ =	shalt  }
0x5e: {  	_ =	shalt  }
0x5f: {  	_ =	shalt  }
0x60: {  	_ =	shalt  }
0x61: {  	_ =	shalt  }
0x62: {  	_ =	shalt  }
0x63: {  	_ =	shalt  }
0x64: {  	_ =	shalt  }
0x65: {  	_ =	shalt  }
0x66: {  	_ =	shalt  }
0x67: {  	_ =	shalt  }
0x68: {  	_ =	shalt  }
0x69: {  	_ =	shalt  }
0x6a: {  	_ =	shalt  }
0x6b: {  	_ =	shalt  }
0x6c: {  	_ =	shalt  }
0x6d: {  	_ =	shalt  }
0x6e: {  	_ =	shalt  }
0x6f: {  	_ =	shalt  }
0x70: {  	_ =	shalt  }
0x71: {  	_ =	shalt  }
0x72: {  	_ =	shalt  }
0x73: {  	_ =	shalt  }
0x74: {  	_ =	shalt  }
0x75: {  	_ =	shalt  }
0x76: {  	_ =	shalt  }
0x77: {  	_ =	shalt  }
0x78: {  	_ =	shalt  }
0x79: {  	_ =	shalt  }
0x7a: {  	_ =	shalt  }
0x7b: {  	_ =	shalt  }
0x7c: {  	_ =	shalt  }
0x7d: {  	_ =	shalt  }
0x7e: {  	_ =	shalt  }
0x7f: {  	_ =	shalt  }
0x80: {  	_ =	shalt  }
0x81: {  	_ =	shalt  }
0x82: {  	_ =	shalt  }
0x83: {  	_ =	shalt  }
0x84: {  	_ =	shalt  }
0x85: {  	_ =	shalt  }
0x86: {  	_ =	shalt  }
0x87: {  	_ =	shalt  }
.Lfunc_end0:
.L_simem_size_0:
called_computation.1_lowered:
.L_overlay_start_0:
0x88: {  	s2 =	sld [smem:$0x3FD9]  }
0x89: {  	s3 =	sld [smem:$0x3FFE];
	_ =	sdelay $0x1  }
0x8a: {  	s1 =	srdreg.scid  }
0x8b: {  	s0 =	sand.u32 $0x1, s1  }
0x8c: {  	s17 =	sshll.u32 s0, $0xA;
	s2 =	sadd.s32 s3, s2  }
0x8d: {  	s2 =	sadd.s32 s2, s17  }
0x8e: {  	[smem:$0x3FC3] =	sst s2  }
0x8f: {  	_ = 	snop  }
0x90: {  	s2 =	sld [smem:$0x3FD0];
	(tm) =	ssettm $0x1  }
0x91: {  	s18 =	sld [smem:$0x3FFB];
	_ =	sdelay $0x3  }
0x92: {  	_ =	strace s18  }
0x93: {  	s3 =	sld [smem:$0x3FFC];
	_ =	sdelay $0x3  }
0x94: {  	_ =	strace s3  }
0x95: {  	s3 =	sld [smem:$0x3FFD];
	_ =	sdelay $0x3  }
0x96: {  	_ =	strace s3  }
0x97: {  	_ =	strace $0x8FFFFFFF  }
0x98: {  	s19 =	sld [smem:$0x3FDB];
	_ =	sdelay $0x1  }
0x99: {  	s4 =	simm.s32 $_scs_section_size  }
0x9a: {  	s5 =	simm.s32 $_size__tile_overlayer_lowered;
	s6 =	simm.s32 $_tile_overlayer_lowered  }
0x9b: {  	s22 =	simm.s32 $0x1BFF;
	s21 =	sshll.u32 s6, $0x1;
	s3 =	sadd.s32 s4, s19  }
0x9c: {  	s7 =	simm.s32 $0x0;
	s20 =	sshll.u32 s5, $0x1;
	s5 =	sadd.s32 s21, s3  }
0x9d: {  	[timem:s7], [sflag:s22] =	dma.local [hbm:s5], s20  }
0x9e: {  	_ =	swait.ge [sflag:s22], s20  }
0x9f: {  	s4 =	ssub.s32 $0x0, s20;
	[sflag:s22] =	ssyncset.done $0x0  }
0xa0: {  	[sflag:s22] =	ssyncadd.s32 s4;
	_ =	sdelay $0x1  }
0xa1: {  	s23 =	simm.s32 $0x1B8B  }
0xa2: {  	_ =	swait.ge [sflag:s23], $0x1  }
0xa3: {  	[sflag:s23] =	ssyncset.done $0x0  }
0xa4: {  	s25 =	simm.s32 $0x1B8E;
	s24 =	sld [smem:$0x3FFE];
	[sflag:s23] =	ssyncadd.s32 $0xFFFFFFFF  }
0xa5: {  	s26 =	simm.s32 $execute0_lowered;
	[smem:$0x3FD2] =	sst s25  }
0xa6: {  	s5 =	sshll.u32 s26, $0x1;
	_ =	strace $0x80000046;
	[dreg:$0x1] =	wrdreg $0xFFFFFFFF  }
0xa7: {  	s28 =	simm.s32 $_size_execute0_lowered;
	s3 =	sadd.s32 s3, s5;
	[dreg:$0x0] =	wrdreg $0x0  }
0xa8: {  	s5 =	sshll.u32 s28, $0x1;
	[dreg:$0x2] =	wrdreg s3  }
0xa9: {  	[dreg:$0x3] =	wrdreg s5  }
0xaa: {  	[dreg:$0x4] =	wrdreg $0xC0  }
0xab: {  	_ =	task [dreg:s7], $0x5FFFF  }
0xac: {  	[dreg:$0x1] =	wrdreg $0xFFFFFFFF  }
0xad: {  	[dreg:$0x0] =	wrdreg $0x60  }
0xae: {  	[dreg:$0x2] =	wrdreg s24  }
0xaf: {  	[dreg:$0x3] =	wrdreg s2  }
0xb0: {  	[dreg:$0x4] =	wrdreg $0x9  }
0xb1: {  	_ =	task.clear_ibuf [dreg:s7], $0x5FFFF;
	_ =	strace $0x90000046  }
0xb2: {  	s29 =	simm.s32 $0x9;
	_ =	strace $0x80000048  }
0xb3: {  	_ =	swait.ge [sflag:s29], $0x1  }
0xb4: {  	[sflag:s29] =	ssyncadd.s32 $0xFFFFFFFF  }
0xb5: {  	_ =	strace $0x90000048  }
0xb6: {  	_ =	sfence  }
0xb7: {  	s30 =	sld [smem:$0x0];
	_ =	sdelay $0x2  }
0xb8: {  	s31 =	sshll.u32 s1, $0xD;
	s1 =	sshrl.u32 s1, $0x2  }
0xb9: {  	s3 =	sand.u32 $0x4000, s31;
	s1 =	sadd.s32 s1, s30  }
0xba: {  	s0 =	sor.u32 s3, s0;
	s1 =	sshll.u32 s1, $0x11  }
0xbb: {  	s0 =	sor.u32 s1, s0  }
0xbc: {  	s0 =	sadd.s32 $0x8F2B, s0  }
0xbd: {  	[sflag:s0] =	ssyncadd.remote.s32 $0x1  }
0xbe: {  	_ =	sfence.sel $0xFFFF  }
0xbf: {  	[dreg:$0x0] =	wrdreg $0xFFFFFFFF;
	(pc) =	sbr.abs _section_cstart, $3  }
0xc0: {  	[dreg:$0x1] =	wrdreg $0xFFFFFFFF  }
0xc1: {  	_ =	task.clear_ibuf [dreg:s7], $0x2FFFF;
	_ =	strace $0x9FFFFFFF  }
0xc2: {  	(tm) =	ssettm $0x7FFFFFFF  }
0xc3: {  	_ =	shalt  }
tec
execute0_lowered:
.L_overlay_start_1:
0x0: {  	(tag) =	ssettag $0x1  }
0x1: {  	s1 =	rddreg [dreg:$0x0]  }
0x2: {  	s15 =	rddreg [dreg:$0x1];
	s12 =	simm.s32 $0x0  }
0x3: {  	s14 =	simm.s32 $0x1C00;
	[smem:$0x7FF] =	sst s12  }
0x4: {  	s16 =	simm.s32 $0xA80;
	_ =	strace $0x80000047;
	[dreg:$0x5] =	wrdreg s14  }
0x5: {  	s17 =	simm.s32 $0xBC00;
	[dreg:$0x6] =	wrdreg s16  }
0x6: {  	s18 =	simm.s32 $0x100;
	[dreg:$0x7] =	wrdreg s17  }
0x7: {  	s19 =	simm.s32 $0x2400;
	[dreg:$0x8] =	wrdreg s18  }
0x8: {  	s20 =	simm.s32 $0xB00;
	[dreg:$0x9] =	wrdreg s19  }
0x9: {  	s21 =	simm.s32 $0xC400;
	[dreg:$0xa] =	wrdreg s20  }
0xa: {  	s22 =	simm.s32 $0x180;
	[dreg:$0xb] =	wrdreg s21  }
0xb: {  	s23 =	simm.s32 $0x2C00;
	[dreg:$0xc] =	wrdreg s22  }
0xc: {  	s24 =	simm.s32 $0xB80;
	[dreg:$0xd] =	wrdreg s23  }
0xd: {  	s25 =	simm.s32 $0xCC00;
	[dreg:$0xe] =	wrdreg s24  }
0xe: {  	s26 =	simm.s32 $0x200;
	[dreg:$0xf] =	wrdreg s25  }
0xf: {  	s29 =	simm.s32 $0x3400;
	[dreg:$0x10] =	wrdreg s26  }
0x10: {  	s30 =	simm.s32 $0xC00;
	[dreg:$0x11] =	wrdreg s29  }
0x11: {  	s31 =	simm.s32 $0xD400;
	[dreg:$0x12] =	wrdreg s30  }
0x12: {  	s5 =	simm.s32 $0x3C00;
	[dreg:$0x13] =	wrdreg s31  }
0x13: {  	s6 =	simm.s32 $0xC80;
	[dreg:$0x15] =	wrdreg s5  }
0x14: {  	s7 =	simm.s32 $0xDC00;
	[dreg:$0x16] =	wrdreg s6  }
0x15: {  	s8 =	simm.s32 $0x300;
	[dreg:$0x17] =	wrdreg s7  }
0x16: {  	s9 =	simm.s32 $0x4400;
	[dreg:$0x18] =	wrdreg s8  }
0x17: {  	s10 =	simm.s32 $0xD00;
	[dreg:$0x19] =	wrdreg s9  }
0x18: {  	s11 =	simm.s32 $0xE400;
	[dreg:$0x1a] =	wrdreg s10  }
0x19: {  	s12 =	simm.s32 $0x380;
	[dreg:$0x1b] =	wrdreg s11  }
0x1a: {  	[dreg:$0x1c] =	wrdreg s12;
	s14 =	simm.s32 $0xD80  }
0x1b: {  	s16 =	simm.s32 $0xEC00;
	[dreg:$0x1e] =	wrdreg s14  }
0x1c: {  	s17 =	simm.s32 $0x400;
	[dreg:$0x1f] =	wrdreg s16  }
0x1d: {  	s18 =	simm.s32 $0x5400;
	[smem:$0x7D8] =	sst s17  }
0x1e: {  	s19 =	simm.s32 $0xE00;
	[smem:$0x7D9] =	sst s18  }
0x1f: {  	s20 =	simm.s32 $0xF400;
	[smem:$0x7DA] =	sst s19  }
0x20: {  	s21 =	simm.s32 $0x480;
	[smem:$0x7DB] =	sst s20  }
0x21: {  	s22 =	simm.s32 $0x5C00;
	[smem:$0x7DC] =	sst s21  }
0x22: {  	s23 =	simm.s32 $0xE80;
	[smem:$0x7DD] =	sst s22  }
0x23: {  	s24 =	simm.s32 $0xFC00;
	[smem:$0x7DE] =	sst s23  }
0x24: {  	s25 =	simm.s32 $0x500;
	[smem:$0x7DF] =	sst s24  }
0x25: {  	s26 =	simm.s32 $0x6400;
	[smem:$0x7E0] =	sst s25  }
0x26: {  	s29 =	simm.s32 $0xF00;
	[smem:$0x7E1] =	sst s26  }
0x27: {  	s30 =	simm.s32 $0x10400;
	[smem:$0x7E2] =	sst s29  }
0x28: {  	s31 =	simm.s32 $0x580;
	[smem:$0x7E3] =	sst s30  }
0x29: {  	s5 =	simm.s32 $0xF80;
	[smem:$0x7E4] =	sst s31  }
0x2a: {  	s6 =	simm.s32 $0x10C00;
	[smem:$0x7E6] =	sst s5  }
0x2b: {  	s7 =	simm.s32 $0x600;
	[smem:$0x7E7] =	sst s6  }
0x2c: {  	s8 =	simm.s32 $0x7400;
	[smem:$0x7E8] =	sst s7  }
0x2d: {  	s0 =	srdreg.scid;
	s9 =	simm.s32 $0x1000;
	[smem:$0x7E9] =	sst s8  }
0x2e: {  	s2 =	stileid.u32;
	s10 =	simm.s32 $0x11400;
	[smem:$0x7EA] =	sst s9  }
0x2f: {  	s28 =	simm.s32 $0x2;
	s11 =	simm.s32 $0x680;
	[smem:$0x7EB] =	sst s10  }
0x30: {  	s0 =	sand.u32 $0x1, s0;
	s12 =	simm.s32 $0x7C00;
	[smem:$0x7EC] =	sst s11  }
0x31: {  	s3 =	smul.u32 $0xC800, s2;
	[smem:$0x7ED] =	sst s12;
	s16 =	simm.s32 $0x11C00  }
0x32: {  	s4 =	smul.u32 $0x6400, s0;
	s17 =	simm.s32 $0x700;
	[smem:$0x7EF] =	sst s16  }
0x33: {  	s5 =	smul.u32 $0x19000, s2;
	s18 =	simm.s32 $0x8400;
	[smem:$0x7F0] =	sst s17  }
0x34: {  	s14 =	ssub.s32 $0x2, s0;
	s19 =	simm.s32 $0x1100;
	[smem:$0x7F1] =	sst s18  }
0x35: {  	s0 =	smul.u32 $0xC800, s0;
	s21 =	simm.s32 $0x12400;
	[smem:$0x7F3] =	sst s19  }
0x36: {  	s22 =	simm.s32 $0x780;
	s24 =	simm.s32 $0x8C00;
	[smem:$0x7F4] =	sst s21  }
0x37: {  	s25 =	simm.s32 $0x1180;
	s26 =	simm.s32 $0x12C00;
	[smem:$0x7F6] =	sst s22  }
0x38: {  	s29 =	simm.s32 $0x800;
	s10 =	simm.s32 $0x80;
	[smem:$0x7F8] =	sst s24  }
0x39: {  	s30 =	simm.s32 $0x9400;
	s31 =	simm.s32 $0x1200;
	[smem:$0x7F9] =	sst s25  }
0x3a: {  	s8 =	simm.s32 $0x13400;
	s9 =	simm.s32 $0x880;
	[smem:$0x7FA] =	sst s26  }
0x3b: {  	s11 =	simm.s32 $0x9C00;
	s12 =	simm.s32 $0x1280;
	[smem:$0x7FB] =	sst s29  }
0x3c: {  	s2 =	simm.s32 $0x0;
	s3 =	sadd.s32 s4, s3;
	[smem:$0x7FC] =	sst s30  }
0x3d: {  	s4 =	simm.s32 $0x280;
	s6 =	sshrl.u32 s14, $0x1;
	[smem:$0x7FD] =	sst s31  }
0x3e: {  	s16 =	simm.s32 $0xA400;
	s21 =	simm.s32 $0x14400;
	s22 =	simm.s32 $0x980  }
0x3f: {  	s3 =	sshrl.u32 s3, $0x3;
	[dreg:$0x14] =	wrdreg s4;
	s4 =	simm.s32 $0x6C00  }
0x40: {  	s24 =	simm.s32 $0x1380;
	s3 =	sadd.s32 s3, s1;
	[smem:$0x7E5] =	sst s4  }
0x41: {  	s4 =	sadd.s32 $0xFA8400, s1;
	s1 =	sadd.s32 s5, s1;
	s13 =	sadd.s32 $0x34000, s3  }
0x42: {  	s5 =	ssub.s32 s14, s6;
	s3 =	sadd.s32 $0x4D000, s3;
	[dreg:$0x3] =	wrdreg s13  }
0x43: {  	s25 =	simm.s32 $0x14C00;
	s20 =	smax.u32 s5, $0x1;
	[dreg:$0x4] =	wrdreg s3  }
0x44: {  	s0 =	sadd.s32 s0, s1;
	s13 =	simm.s32 $0x4C00;
	[smem:$0x7F2] =	sst s20  }
0x45: {  	s26 =	simm.s32 $0x1;
	s23 =	sadd.s32 $0x1F6000, s0;
	[dreg:$0x1d] =	wrdreg s13  }
0x46: {  	s14 =	simm.s32 $0x900;
	s0 =	sadd.s32 $0x66000, s0;
	[smem:$0x7F5] =	sst s23  }
0x47: {  	s20 =	simm.s32 $0x1300;
	s13 =	simm.s32 $0x1080;
	[smem:$0x7F7] =	sst s0  }
0x48: {  	s23 =	simm.s32 $0xAC00;
	[smem:$0x7EE] =	sst s13;
	s13 =	simm.s32 $0x13C00  }
.LBB2_1:
0x49: {  	[smem:$0x7D7] =	sst s2  }
0x4a: {  	s0 =	rddreg [dreg:$0x4]  }
0x4b: {  	s2 =	simm.s32 $0x0;
	s6 =	simm.s32 $0x3;
	s0 =	sadd.s32 $0x0, s0  }
0x4c: {  	[tilespmem:s2], [sflag:$0x3] =	stream.linear.gather [hbm4b:s0+s2], $0xA00, $0x38;
	[tilespmem:$0x15400] =	vst v63  }
0x4d: {  	_ =	swait.ge [sflag:s6], $0xA00  }
0x4e: {  	s19 =	rddreg [dreg:$0x3];
	[sflag:s6] =	ssyncset.done $0x0  }
0x4f: {  	s7 =	simm.s32 $0xA00;
	[sflag:s6] =	ssyncadd.s32 $0xFFFFF600;
	s0 =	sadd.s32 $0x0, s19  }
0x50: {  	[tilespmem:s7], [sflag:$0x3] =	stream.linear.gather [hbm4b:s0+s2], $0xA00, $0x38;
	[tilespmem:$0x15400] =	vst v63  }
0x51: {  	_ =	swait.ge [sflag:s6], $0xA00  }
0x52: {  	s29 =	rddreg [dreg:$0x5]  }
0x53: {  	s1 =	rddreg [dreg:$0x7]  }
0x54: {  	s3 =	rddreg [dreg:$0x9]  }
0x55: {  	[sflag:s6] =	ssyncset.done $0x0;
	s30 =	rddreg [dreg:$0x6]  }
0x56: {  	s18 =	simm.s32 $0x1400;
	s17 =	rddreg [dreg:$0xb];
	[sflag:s6] =	ssyncadd.s32 $0xFFFFF600  }
0x57: {  	[tilespmem:s18], [sflag:$0x1] =	stream.indirect.gather [hbm4b:s15+s10], $0x10, s2, s10, $0xb8;
	[tilespmem:$0x15400] =	vst v63  }
0x58: {  	s5 =	simm.s32 $0xB400;
	s19 =	rddreg [dreg:$0xa]  }
0x59: {  	[tilespmem:s5], [sflag:$0x2] =	stream.indirect.gather [hbm4b:s4+s10], $0x10, s7, s10, $0xb8;
	[tilespmem:$0x15400] =	vst v63  }
0x5a: {  	s7 =	rddreg [dreg:$0x8]  }
0x5b: {  	s5 =	rddreg [dreg:$0xf]  }
0x5c: {  	[tilespmem:s29], [sflag:$0x1] =	stream.indirect.gather [hbm4b:s15+s10], $0x10, s10, s10, $0xb8;
	[tilespmem:$0x15400] =	vst v63  }
0x5d: {  	s29 =	rddreg [dreg:$0xd]  }
0x5e: {  	[tilespmem:s1], [sflag:$0x2] =	stream.indirect.gather [hbm4b:s4+s10], $0x10, s30, s10, $0xb8;
	[tilespmem:$0x15400] =	vst v63  }
0x5f: {  	s30 =	rddreg [dreg:$0xc]  }
0x60: {  	[tilespmem:s3], [sflag:$0x1] =	stream.indirect.gather [hbm4b:s15+s10], $0x10, s7, s10, $0xb8;
	[tilespmem:$0x15400] =	vst v63  }
0x61: {  	s7 =	rddreg [dreg:$0xe]  }
0x62: {  	s3 =	rddreg [dreg:$0x15]  }
0x63: {  	[tilespmem:s17], [sflag:$0x2] =	stream.indirect.gather [hbm4b:s4+s10], $0x10, s19, s10, $0xb8;
	[tilespmem:$0x15400] =	vst v63  }
0x64: {  	s17 =	rddreg [dreg:$0x11]  }
0x65: {  	s19 =	rddreg [dreg:$0x10]  }
0x66: {  	[tilespmem:s29], [sflag:$0x1] =	stream.indirect.gather [hbm4b:s15+s10], $0x10, s30, s10, $0xb8;
	[tilespmem:$0x15400] =	vst v63  }
0x67: {  	s29 =	rddreg [dreg:$0x13]  }
0x68: {  	s30 =	rddreg [dreg:$0x12]  }
0x69: {  	[tilespmem:s5], [sflag:$0x2] =	stream.indirect.gather [hbm4b:s4+s10], $0x10, s7, s10, $0xb8;
	[tilespmem:$0x15400] =	vst v63  }
0x6a: {  	s7 =	rddreg [dreg:$0x14]  }
0x6b: {  	s5 =	rddreg [dreg:$0x1b]  }
0x6c: {  	[tilespmem:s17], [sflag:$0x1] =	stream.indirect.gather [hbm4b:s15+s10], $0x10, s19, s10, $0xb8;
	[tilespmem:$0x15400] =	vst v63  }
0x6d: {  	s17 =	rddreg [dreg:$0x17]  }
0x6e: {  	s19 =	rddreg [dreg:$0x16]  }
0x6f: {  	[tilespmem:s29], [sflag:$0x2] =	stream.indirect.gather [hbm4b:s4+s10], $0x10, s30, s10, $0xb8;
	[tilespmem:$0x15400] =	vst v63  }
0x70: {  	s29 =	rddreg [dreg:$0x19]  }
0x71: {  	s30 =	rddreg [dreg:$0x18]  }
0x72: {  	[tilespmem:s3], [sflag:$0x1] =	stream.indirect.gather [hbm4b:s15+s10], $0x10, s7, s10, $0xb8;
	[tilespmem:$0x15400] =	vst v63  }
0x73: {  	s7 =	rddreg [dreg:$0x1a]  }
0x74: {  	s3 =	sld [smem:$0x7D9]  }
0x75: {  	[tilespmem:s17], [sflag:$0x2] =	stream.indirect.gather [hbm4b:s4+s10], $0x10, s19, s10, $0xb8;
	[tilespmem:$0x15400] =	vst v63  }
0x76: {  	s17 =	rddreg [dreg:$0x1d]  }
0x77: {  	s19 =	rddreg [dreg:$0x1c]  }
0x78: {  	[tilespmem:s29], [sflag:$0x1] =	stream.indirect.gather [hbm4b:s15+s10], $0x10, s30, s10, $0xb8;
	[tilespmem:$0x15400] =	vst v63  }
0x79: {  	s29 =	rddreg [dreg:$0x1f]  }
0x7a: {  	s30 =	rddreg [dreg:$0x1e]  }
0x7b: {  	[tilespmem:s5], [sflag:$0x2] =	stream.indirect.gather [hbm4b:s4+s10], $0x10, s7, s10, $0xb8;
	[tilespmem:$0x15400] =	vst v63  }
0x7c: {  	s7 =	sld [smem:$0x7D8]  }
0x7d: {  	s5 =	sld [smem:$0x7DF]  }
0x7e: {  	[tilespmem:s17], [sflag:$0x1] =	stream.indirect.gather [hbm4b:s15+s10], $0x10, s19, s10, $0xb8;
	[tilespmem:$0x15400] =	vst v63  }
0x7f: {  	s17 =	sld [smem:$0x7DB]  }
0x80: {  	s19 =	sld [smem:$0x7DA]  }
0x81: {  	[tilespmem:s29], [sflag:$0x2] =	stream.indirect.gather [hbm4b:s4+s10], $0x10, s30, s10, $0xb8;
	[tilespmem:$0x15400] =	vst v63  }
0x82: {  	s29 =	sld [smem:$0x7DD]  }
0x83: {  	s30 =	sld [smem:$0x7DC]  }
0x84: {  	[tilespmem:s3], [sflag:$0x1] =	stream.indirect.gather [hbm4b:s15+s10], $0x10, s7, s10, $0xb8;
	[tilespmem:$0x15400] =	vst v63  }
0x85: {  	s7 =	sld [smem:$0x7DE]  }
0x86: {  	s3 =	sld [smem:$0x7E5]  }
0x87: {  	[tilespmem:s17], [sflag:$0x2] =	stream.indirect.gather [hbm4b:s4+s10], $0x10, s19, s10, $0xb8;
	[tilespmem:$0x15400] =	vst v63  }
0x88: {  	s17 =	sld [smem:$0x7E1]  }
0x89: {  	s19 =	sld [smem:$0x7E0]  }
0x8a: {  	[tilespmem:s29], [sflag:$0x1] =	stream.indirect.gather [hbm4b:s15+s10], $0x10, s30, s10, $0xb8;
	[tilespmem:$0x15400] =	vst v63  }
0x8b: {  	s29 =	sld [smem:$0x7E3]  }
0x8c: {  	s30 =	sld [smem:$0x7E2]  }
0x8d: {  	[tilespmem:s5], [sflag:$0x2] =	stream.indirect.gather [hbm4b:s4+s10], $0x10, s7, s10, $0xb8;
	[tilespmem:$0x15400] =	vst v63  }
0x8e: {  	s7 =	sld [smem:$0x7E4]  }
0x8f: {  	s5 =	sld [smem:$0x7EB]  }
0x90: {  	[tilespmem:s17], [sflag:$0x1] =	stream.indirect.gather [hbm4b:s15+s10], $0x10, s19, s10, $0xb8;
	[tilespmem:$0x15400] =	vst v63  }
0x91: {  	s17 =	sld [smem:$0x7E7]  }
0x92: {  	s19 =	sld [smem:$0x7E6]  }
0x93: {  	[tilespmem:s29], [sflag:$0x2] =	stream.indirect.gather [hbm4b:s4+s10], $0x10, s30, s10, $0xb8;
	[tilespmem:$0x15400] =	vst v63  }
0x94: {  	s29 =	sld [smem:$0x7E9]  }
0x95: {  	s30 =	sld [smem:$0x7E8]  }
0x96: {  	[tilespmem:s3], [sflag:$0x1] =	stream.indirect.gather [hbm4b:s15+s10], $0x10, s7, s10, $0xb8;
	[tilespmem:$0x15400] =	vst v63  }
0x97: {  	s7 =	sld [smem:$0x7EA]  }
0x98: {  	s3 =	sld [smem:$0x7F1]  }
0x99: {  	[tilespmem:s17], [sflag:$0x2] =	stream.indirect.gather [hbm4b:s4+s10], $0x10, s19, s10, $0xb8;
	[tilespmem:$0x15400] =	vst v63  }
0x9a: {  	s17 =	sld [smem:$0x7ED]  }
0x9b: {  	s19 =	sld [smem:$0x7EC]  }
0x9c: {  	[tilespmem:s29], [sflag:$0x1] =	stream.indirect.gather [hbm4b:s15+s10], $0x10, s30, s10, $0xb8;
	[tilespmem:$0x15400] =	vst v63  }
0x9d: {  	s29 =	sld [smem:$0x7EF]  }
0x9e: {  	s30 =	sld [smem:$0x7EE]  }
0x9f: {  	[tilespmem:s5], [sflag:$0x2] =	stream.indirect.gather [hbm4b:s4+s10], $0x10, s7, s10, $0xb8;
	[tilespmem:$0x15400] =	vst v63  }
0xa0: {  	s7 =	sld [smem:$0x7F0]  }
0xa1: {  	s5 =	sld [smem:$0x7FA]  }
0xa2: {  	[tilespmem:s17], [sflag:$0x1] =	stream.indirect.gather [hbm4b:s15+s10], $0x10, s19, s10, $0xb8;
	[tilespmem:$0x15400] =	vst v63  }
0xa3: {  	s17 =	sld [smem:$0x7F4]  }
0xa4: {  	s19 =	sld [smem:$0x7F3]  }
0xa5: {  	[tilespmem:s29], [sflag:$0x2] =	stream.indirect.gather [hbm4b:s4+s10], $0x10, s30, s10, $0xb8;
	[tilespmem:$0x15400] =	vst v63  }
0xa6: {  	s29 =	sld [smem:$0x7F8]  }
0xa7: {  	s30 =	sld [smem:$0x7F6]  }
0xa8: {  	[tilespmem:s3], [sflag:$0x1] =	stream.indirect.gather [hbm4b:s15+s10], $0x10, s7, s10, $0xb8;
	[tilespmem:$0x15400] =	vst v63  }
0xa9: {  	s7 =	sld [smem:$0x7F9]  }
0xaa: {  	[tilespmem:s17], [sflag:$0x2] =	stream.indirect.gather [hbm4b:s4+s10], $0x10, s19, s10, $0xb8;
	[tilespmem:$0x15400] =	vst v63  }
0xab: {  	s17 =	sld [smem:$0x7FC]  }
0xac: {  	[tilespmem:s29], [sflag:$0x1] =	stream.indirect.gather [hbm4b:s15+s10], $0x10, s30, s10, $0xb8;
	[tilespmem:$0x15400] =	vst v63  }
0xad: {  	s19 =	sld [smem:$0x7FB]  }
0xae: {  	[tilespmem:s5], [sflag:$0x2] =	stream.indirect.gather [hbm4b:s4+s10], $0x10, s7, s10, $0xb8;
	[tilespmem:$0x15400] =	vst v63  }
0xaf: {  	s29 =	sld [smem:$0x7FD]  }
0xb0: {  	[tilespmem:s17], [sflag:$0x1] =	stream.indirect.gather [hbm4b:s15+s10], $0x10, s19, s10, $0xb8;
	[tilespmem:$0x15400] =	vst v63  }
0xb1: {  	_ = 	snop  }
0xb2: {  	[tilespmem:s8], [sflag:$0x2] =	stream.indirect.gather [hbm4b:s4+s10], $0x10, s29, s10, $0xb8;
	[tilespmem:$0x15400] =	vst v63  }
0xb3: {  	_ = 	snop  }
0xb4: {  	[tilespmem:s11], [sflag:$0x1] =	stream.indirect.gather [hbm4b:s15+s10], $0x10, s9, s10, $0xb8;
	[tilespmem:$0x15400] =	vst v63  }
0xb5: {  	_ = 	snop  }
0xb6: {  	[tilespmem:s13], [sflag:$0x2] =	stream.indirect.gather [hbm4b:s4+s10], $0x10, s12, s10, $0xb8;
	[tilespmem:$0x15400] =	vst v63  }
0xb7: {  	_ = 	snop  }
0xb8: {  	[tilespmem:s16], [sflag:$0x1] =	stream.indirect.gather [hbm4b:s15+s10], $0x10, s14, s10, $0xb8;
	[tilespmem:$0x15400] =	vst v63  }
0xb9: {  	_ = 	snop  }
0xba: {  	[tilespmem:s21], [sflag:$0x2] =	stream.indirect.gather [hbm4b:s4+s10], $0x10, s20, s10, $0xb8;
	[tilespmem:$0x15400] =	vst v63  }
0xbb: {  	_ = 	snop  }
0xbc: {  	[tilespmem:s23], [sflag:$0x1] =	stream.indirect.gather [hbm4b:s15+s10], $0x10, s22, s10, $0xb8;
	[tilespmem:$0x15400] =	vst v63  }
0xbd: {  	_ = 	snop  }
0xbe: {  	[tilespmem:s25], [sflag:$0x2] =	stream.indirect.gather [hbm4b:s4+s10], $0x10, s24, s10, $0xb8;
	[tilespmem:$0x15400] =	vst v63  }
0xbf: {  	_ =	swait.ge [sflag:s26], $0x800  }
0xc0: {  	[sflag:s26] =	ssyncset.done $0x0  }
0xc1: {  	[sflag:s26] =	ssyncadd.s32 $0xFFFFF800  }
0xc2: {  	_ =	swait.ge [sflag:s26], $0x800  }
0xc3: {  	[sflag:s26] =	ssyncset.done $0x0  }
0xc4: {  	[sflag:s26] =	ssyncadd.s32 $0xFFFFF800  }
0xc5: {  	_ =	swait.ge [sflag:s26], $0x800  }
0xc6: {  	[sflag:s26] =	ssyncset.done $0x0  }
0xc7: {  	[sflag:s26] =	ssyncadd.s32 $0xFFFFF800  }
0xc8: {  	_ =	swait.ge [sflag:s26], $0x800  }
0xc9: {  	[sflag:s26] =	ssyncset.done $0x0  }
0xca: {  	[sflag:s26] =	ssyncadd.s32 $0xFFFFF800  }
0xcb: {  	_ =	swait.ge [sflag:s26], $0x800  }
0xcc: {  	[sflag:s26] =	ssyncset.done $0x0  }
0xcd: {  	[sflag:s26] =	ssyncadd.s32 $0xFFFFF800  }
0xce: {  	_ =	swait.ge [sflag:s26], $0x800  }
0xcf: {  	[sflag:s26] =	ssyncset.done $0x0  }
0xd0: {  	[sflag:s26] =	ssyncadd.s32 $0xFFFFF800  }
0xd1: {  	_ =	swait.ge [sflag:s26], $0x800  }
0xd2: {  	[sflag:s26] =	ssyncset.done $0x0  }
0xd3: {  	[sflag:s26] =	ssyncadd.s32 $0xFFFFF800  }
0xd4: {  	_ =	swait.ge [sflag:s26], $0x800  }
0xd5: {  	[sflag:s26] =	ssyncset.done $0x0  }
0xd6: {  	[sflag:s26] =	ssyncadd.s32 $0xFFFFF800  }
0xd7: {  	_ =	swait.ge [sflag:s26], $0x800  }
0xd8: {  	[sflag:s26] =	ssyncset.done $0x0  }
0xd9: {  	[sflag:s26] =	ssyncadd.s32 $0xFFFFF800  }
0xda: {  	_ =	swait.ge [sflag:s26], $0x800  }
0xdb: {  	[sflag:s26] =	ssyncset.done $0x0  }
0xdc: {  	[sflag:s26] =	ssyncadd.s32 $0xFFFFF800  }
0xdd: {  	_ =	swait.ge [sflag:s26], $0x800  }
0xde: {  	[sflag:s26] =	ssyncset.done $0x0  }
0xdf: {  	[sflag:s26] =	ssyncadd.s32 $0xFFFFF800  }
0xe0: {  	_ =	swait.ge [sflag:s26], $0x800  }
0xe1: {  	[sflag:s26] =	ssyncset.done $0x0  }
0xe2: {  	[sflag:s26] =	ssyncadd.s32 $0xFFFFF800  }
0xe3: {  	_ =	swait.ge [sflag:s26], $0x800  }
0xe4: {  	[sflag:s26] =	ssyncset.done $0x0  }
0xe5: {  	[sflag:s26] =	ssyncadd.s32 $0xFFFFF800  }
0xe6: {  	_ =	swait.ge [sflag:s26], $0x800  }
0xe7: {  	[sflag:s26] =	ssyncset.done $0x0  }
0xe8: {  	[sflag:s26] =	ssyncadd.s32 $0xFFFFF800  }
0xe9: {  	_ =	swait.ge [sflag:s26], $0x800  }
0xea: {  	[sflag:s26] =	ssyncset.done $0x0  }
0xeb: {  	[sflag:s26] =	ssyncadd.s32 $0xFFFFF800  }
0xec: {  	_ =	swait.ge [sflag:s26], $0x800  }
0xed: {  	[sflag:s26] =	ssyncset.done $0x0  }
0xee: {  	[sflag:s26] =	ssyncadd.s32 $0xFFFFF800  }
0xef: {  	_ =	swait.ge [sflag:s26], $0x800  }
0xf0: {  	[sflag:s26] =	ssyncset.done $0x0  }
0xf1: {  	[sflag:s26] =	ssyncadd.s32 $0xFFFFF800  }
0xf2: {  	_ =	swait.ge [sflag:s26], $0x800  }
0xf3: {  	[sflag:s26] =	ssyncset.done $0x0  }
0xf4: {  	[sflag:s26] =	ssyncadd.s32 $0xFFFFF800  }
0xf5: {  	_ =	swait.ge [sflag:s26], $0x800  }
0xf6: {  	[sflag:s26] =	ssyncset.done $0x0  }
0xf7: {  	[sflag:s26] =	ssyncadd.s32 $0xFFFFF800  }
0xf8: {  	_ =	swait.ge [sflag:s26], $0x800  }
0xf9: {  	s7 =	sld [smem:$0x7F7]  }
0xfa: {  	[sflag:s26] =	ssyncset.done $0x0  }
0xfb: {  	[sflag:s26] =	ssyncadd.s32 $0xFFFFF800  }
0xfc: {  	[hbm4b:s7+s2] =	stream.linear.scatter [tilespmem:s18], [sflag:$0x3], $0xA000, $0x38;
	[tilespmem:$0x15400] =	vst v63  }
0xfd: {  	_ =	swait.ge [sflag:s6], $0xA000  }
0xfe: {  	[sflag:s6] =	ssyncset.done $0x0  }
0xff: {  	[sflag:s6] =	ssyncadd.s32 $0xFFFF6000  }
0x100: {  	_ =	swait.ge [sflag:s28], $0x800  }
0x101: {  	[sflag:s28] =	ssyncset.done $0x0  }
0x102: {  	[sflag:s28] =	ssyncadd.s32 $0xFFFFF800  }
0x103: {  	_ =	swait.ge [sflag:s28], $0x800  }
0x104: {  	[sflag:s28] =	ssyncset.done $0x0  }
0x105: {  	[sflag:s28] =	ssyncadd.s32 $0xFFFFF800  }
0x106: {  	_ =	swait.ge [sflag:s28], $0x800  }
0x107: {  	[sflag:s28] =	ssyncset.done $0x0  }
0x108: {  	[sflag:s28] =	ssyncadd.s32 $0xFFFFF800  }
0x109: {  	_ =	swait.ge [sflag:s28], $0x800  }
0x10a: {  	[sflag:s28] =	ssyncset.done $0x0  }
0x10b: {  	[sflag:s28] =	ssyncadd.s32 $0xFFFFF800  }
0x10c: {  	_ =	swait.ge [sflag:s28], $0x800  }
0x10d: {  	[sflag:s28] =	ssyncset.done $0x0  }
0x10e: {  	[sflag:s28] =	ssyncadd.s32 $0xFFFFF800  }
0x10f: {  	_ =	swait.ge [sflag:s28], $0x800  }
0x110: {  	[sflag:s28] =	ssyncset.done $0x0  }
0x111: {  	[sflag:s28] =	ssyncadd.s32 $0xFFFFF800  }
0x112: {  	_ =	swait.ge [sflag:s28], $0x800  }
0x113: {  	[sflag:s28] =	ssyncset.done $0x0  }
0x114: {  	[sflag:s28] =	ssyncadd.s32 $0xFFFFF800  }
0x115: {  	_ =	swait.ge [sflag:s28], $0x800  }
0x116: {  	[sflag:s28] =	ssyncset.done $0x0  }
0x117: {  	[sflag:s28] =	ssyncadd.s32 $0xFFFFF800  }
0x118: {  	_ =	swait.ge [sflag:s28], $0x800  }
0x119: {  	[sflag:s28] =	ssyncset.done $0x0  }
0x11a: {  	[sflag:s28] =	ssyncadd.s32 $0xFFFFF800  }
0x11b: {  	_ =	swait.ge [sflag:s28], $0x800  }
0x11c: {  	[sflag:s28] =	ssyncset.done $0x0  }
0x11d: {  	[sflag:s28] =	ssyncadd.s32 $0xFFFFF800  }
0x11e: {  	_ =	swait.ge [sflag:s28], $0x800  }
0x11f: {  	[sflag:s28] =	ssyncset.done $0x0  }
0x120: {  	[sflag:s28] =	ssyncadd.s32 $0xFFFFF800  }
0x121: {  	_ =	swait.ge [sflag:s28], $0x800  }
0x122: {  	s30 =	sld [smem:$0x7F5];
	_ =	sdelay $0x1  }
0x123: {  	s31 =	simm.s32 $0x140  }
0x124: {  	s17 =	simm.s32 $0x1400;
	s19 =	smov.u32 s30;
	s2 =	smov.u32 s30  }
.LBB2_2:
0x125: {  	[sflag:s28] =	ssyncset.done $0x0  }
0x126: {  	[sflag:s28] =	ssyncadd.s32 $0xFFFFF800  }
0x127: {  	_ =	swait.ge [sflag:s28], $0x800  }
0x128: {  	[sflag:s28] =	ssyncset.done $0x0  }
0x129: {  	[sflag:s28] =	ssyncadd.s32 $0xFFFFF800  }
0x12a: {  	_ =	swait.ge [sflag:s28], $0x800  }
0x12b: {  	[sflag:s28] =	ssyncset.done $0x0  }
0x12c: {  	[sflag:s28] =	ssyncadd.s32 $0xFFFFF800  }
0x12d: {  	_ =	swait.ge [sflag:s28], $0x800  }
0x12e: {  	[sflag:s28] =	ssyncset.done $0x0  }
0x12f: {  	[sflag:s28] =	ssyncadd.s32 $0xFFFFF800  }
0x130: {  	_ =	swait.ge [sflag:s28], $0x800  }
0x131: {  	[sflag:s28] =	ssyncset.done $0x0  }
0x132: {  	[sflag:s28] =	ssyncadd.s32 $0xFFFFF800  }
0x133: {  	_ =	swait.ge [sflag:s28], $0x800  }
0x134: {  	[sflag:s28] =	ssyncset.done $0x0  }
0x135: {  	[sflag:s28] =	ssyncadd.s32 $0xFFFFF800  }
0x136: {  	_ =	swait.ge [sflag:s28], $0x800  }
0x137: {  	[sflag:s28] =	ssyncset.done $0x0  }
0x138: {  	[sflag:s28] =	ssyncadd.s32 $0xFFFFF800  }
0x139: {  	_ =	swait.ge [sflag:s28], $0x800  }
0x13a: {  	[sflag:s28] =	ssyncset.done $0x0  }
0x13b: {  	[sflag:s28] =	ssyncadd.s32 $0xFFFFF800  }
0x13c: {  	_ =	swait.ge [sflag:s28], $0x800  }
0x13d: {  	s19 =	sadd.s32 $0x1400, s19;
	s1 =	simm.s32 $0x0;
	[sflag:s28] =	ssyncset.done $0x0  }
0x13e: {  	s3 =	simm.s32 $0xB400;
	s18 =	simm.s32 $0x3;
	[sflag:s28] =	ssyncadd.s32 $0xFFFFF800  }
0x13f: {  	[hbm4b:s2+s1] =	stream.linear.scatter [tilespmem:s3], [sflag:$0x3], $0xA000, $0x38;
	[tilespmem:$0x15400] =	vst v63  }
0x140: {  	s0 =	smov.u32 s31;
	s8 =	simm.s32 $0x0;
	_ =	swait.ge [sflag:s18], $0xA000  }
0x141: {  	s9 =	smov.u32 s19;
	s11 =	rddreg [dreg:$0x4];
	[sflag:s18] =	ssyncset.done $0x0  }
0x142: {  	[smem:$0x7CE] =	sst s9;
	[sflag:s18] =	ssyncadd.s32 $0xFFFF6000;
	s1 =	sadd.s32 s0, s11  }
0x143: {  	[tilespmem:s8], [sflag:$0x3] =	stream.linear.gather [hbm4b:s1+s8], $0xA00, $0x38;
	[tilespmem:$0x15400] =	vst v63  }
0x144: {  	_ =	swait.ge [sflag:s18], $0xA00  }
0x145: {  	s12 =	rddreg [dreg:$0x3];
	[sflag:s18] =	ssyncset.done $0x0  }
0x146: {  	s1 =	simm.s32 $0xA00;
	[sflag:s18] =	ssyncadd.s32 $0xFFFFF600;
	s0 =	sadd.s32 s0, s12  }
0x147: {  	[tilespmem:s1], [sflag:$0x3] =	stream.linear.gather [hbm4b:s0+s8], $0xA00, $0x38;
	[tilespmem:$0x15400] =	vst v63  }
0x148: {  	_ =	swait.ge [sflag:s18], $0xA00  }
0x149: {  	s13 =	sld [smem:$0x7FC]  }
0x14a: {  	s14 =	sld [smem:$0x7FA]  }
0x14b: {  	s16 =	sld [smem:$0x7F8]  }
0x14c: {  	s20 =	sld [smem:$0x7F4]  }
0x14d: {  	s21 =	sld [smem:$0x7F1]  }
0x14e: {  	s22 =	sld [smem:$0x7EF]  }
0x14f: {  	s23 =	sld [smem:$0x7ED]  }
0x150: {  	s24 =	sld [smem:$0x7EB]  }
0x151: {  	s25 =	sld [smem:$0x7E9]  }
0x152: {  	s29 =	sld [smem:$0x7E7]  }
0x153: {  	s30 =	sld [smem:$0x7E5]  }
0x154: {  	s9 =	rddreg [dreg:$0x1f]  }
0x155: {  	s11 =	rddreg [dreg:$0x1d]  }
0x156: {  	s12 =	rddreg [dreg:$0x1b]  }
0x157: {  	s3 =	rddreg [dreg:$0x19]  }
0x158: {  	s8 =	rddreg [dreg:$0x15]  }
0x159: {  	s0 =	rddreg [dreg:$0x13]  }
0x15a: {  	s2 =	rddreg [dreg:$0x11]  }
0x15b: {  	s6 =	rddreg [dreg:$0x5]  }
0x15c: {  	s5 =	rddreg [dreg:$0x7]  }
0x15d: {  	[smem:$0x7D6] =	sst s13  }
0x15e: {  	[smem:$0x7D5] =	sst s14  }
0x15f: {  	[smem:$0x7D4] =	sst s16  }
0x160: {  	[smem:$0x7D3] =	sst s20  }
0x161: {  	[smem:$0x7D2] =	sst s21  }
0x162: {  	[smem:$0x7D1] =	sst s22  }
0x163: {  	[smem:$0x7D0] =	sst s23  }
0x164: {  	[smem:$0x7CF] =	sst s24  }
0x165: {  	[smem:$0x7CD] =	sst s25  }
0x166: {  	[smem:$0x7CC] =	sst s29  }
0x167: {  	[smem:$0x7CB] =	sst s30  }
0x168: {  	s20 =	sld [smem:$0x7E3]  }
0x169: {  	s21 =	sld [smem:$0x7E1]  }
0x16a: {  	s22 =	sld [smem:$0x7DF]  }
0x16b: {  	s23 =	sld [smem:$0x7DD]  }
0x16c: {  	s24 =	sld [smem:$0x7DB]  }
0x16d: {  	s25 =	sld [smem:$0x7D9]  }
0x16e: {  	s30 =	rddreg [dreg:$0x17]  }
0x16f: {  	s29 =	rddreg [dreg:$0xf]  }
0x170: {  	[sflag:s18] =	ssyncset.done $0x0;
	s13 =	rddreg [dreg:$0xd]  }
0x171: {  	[sflag:s18] =	ssyncadd.s32 $0xFFFFF600;
	s14 =	rddreg [dreg:$0x9];
	s16 =	simm.s32 $0x0  }
0x172: {  	[tilespmem:s17], [sflag:$0x1] =	stream.indirect.gather [hbm4b:s15+s10], $0x10, s16, s10, $0xb8;
	[tilespmem:$0x15400] =	vst v63  }
0x173: {  	s17 =	rddreg [dreg:$0xb];
	s16 =	simm.s32 $0xB400  }
0x174: {  	[tilespmem:s16], [sflag:$0x2] =	stream.indirect.gather [hbm4b:s4+s10], $0x10, s1, s10, $0xb8;
	[tilespmem:$0x15400] =	vst v63  }
0x175: {  	s1 =	rddreg [dreg:$0x6]  }
0x176: {  	[tilespmem:s6], [sflag:$0x1] =	stream.indirect.gather [hbm4b:s15+s10], $0x10, s10, s10, $0xb8;
	[tilespmem:$0x15400] =	vst v63  }
0x177: {  	s6 =	rddreg [dreg:$0x8]  }
0x178: {  	[tilespmem:s5], [sflag:$0x2] =	stream.indirect.gather [hbm4b:s4+s10], $0x10, s1, s10, $0xb8;
	[tilespmem:$0x15400] =	vst v63  }
0x179: {  	s1 =	rddreg [dreg:$0xa]  }
0x17a: {  	s5 =	rddreg [dreg:$0x1c]  }
0x17b: {  	[tilespmem:s14], [sflag:$0x1] =	stream.indirect.gather [hbm4b:s15+s10], $0x10, s6, s10, $0xb8;
	[tilespmem:$0x15400] =	vst v63  }
0x17c: {  	s6 =	rddreg [dreg:$0xc]  }
0x17d: {  	[tilespmem:s17], [sflag:$0x2] =	stream.indirect.gather [hbm4b:s4+s10], $0x10, s1, s10, $0xb8;
	[tilespmem:$0x15400] =	vst v63  }
0x17e: {  	s1 =	rddreg [dreg:$0xe]  }
0x17f: {  	s17 =	rddreg [dreg:$0x10]  }
0x180: {  	[tilespmem:s13], [sflag:$0x1] =	stream.indirect.gather [hbm4b:s15+s10], $0x10, s6, s10, $0xb8;
	[tilespmem:$0x15400] =	vst v63  }
0x181: {  	s6 =	rddreg [dreg:$0x14]  }
0x182: {  	[tilespmem:s29], [sflag:$0x2] =	stream.indirect.gather [hbm4b:s4+s10], $0x10, s1, s10, $0xb8;
	[tilespmem:$0x15400] =	vst v63  }
0x183: {  	s1 =	rddreg [dreg:$0x12]  }
0x184: {  	s29 =	rddreg [dreg:$0x18]  }
0x185: {  	[tilespmem:s2], [sflag:$0x1] =	stream.indirect.gather [hbm4b:s15+s10], $0x10, s17, s10, $0xb8;
	[tilespmem:$0x15400] =	vst v63  }
0x186: {  	s17 =	rddreg [dreg:$0x16]  }
0x187: {  	[tilespmem:s0], [sflag:$0x2] =	stream.indirect.gather [hbm4b:s4+s10], $0x10, s1, s10, $0xb8;
	[tilespmem:$0x15400] =	vst v63  }
0x188: {  	s1 =	rddreg [dreg:$0x1a]  }
0x189: {  	[tilespmem:s8], [sflag:$0x1] =	stream.indirect.gather [hbm4b:s15+s10], $0x10, s6, s10, $0xb8;
	[tilespmem:$0x15400] =	vst v63  }
0x18a: {  	s6 =	rddreg [dreg:$0x1e]  }
0x18b: {  	[tilespmem:s30], [sflag:$0x2] =	stream.indirect.gather [hbm4b:s4+s10], $0x10, s17, s10, $0xb8;
	[tilespmem:$0x15400] =	vst v63  }
0x18c: {  	s17 =	sld [smem:$0x7D8]  }
0x18d: {  	s30 =	sld [smem:$0x7DC]  }
0x18e: {  	[tilespmem:s3], [sflag:$0x1] =	stream.indirect.gather [hbm4b:s15+s10], $0x10, s29, s10, $0xb8;
	[tilespmem:$0x15400] =	vst v63  }
0x18f: {  	s29 =	sld [smem:$0x7DA]  }
0x190: {  	[tilespmem:s12], [sflag:$0x2] =	stream.indirect.gather [hbm4b:s4+s10], $0x10, s1, s10, $0xb8;
	[tilespmem:$0x15400] =	vst v63  }
0x191: {  	s3 =	sld [smem:$0x7E0]  }
0x192: {  	[tilespmem:s11], [sflag:$0x1] =	stream.indirect.gather [hbm4b:s15+s10], $0x10, s5, s10, $0xb8;
	[tilespmem:$0x15400] =	vst v63  }
0x193: {  	s1 =	sld [smem:$0x7DE]  }
0x194: {  	[tilespmem:s9], [sflag:$0x2] =	stream.indirect.gather [hbm4b:s4+s10], $0x10, s6, s10, $0xb8;
	[tilespmem:$0x15400] =	vst v63  }
0x195: {  	s5 =	sld [smem:$0x7E2]  }
0x196: {  	[tilespmem:s25], [sflag:$0x1] =	stream.indirect.gather [hbm4b:s15+s10], $0x10, s17, s10, $0xb8;
	[tilespmem:$0x15400] =	vst v63  }
0x197: {  	s6 =	sld [smem:$0x7E4]  }
0x198: {  	[tilespmem:s24], [sflag:$0x2] =	stream.indirect.gather [hbm4b:s4+s10], $0x10, s29, s10, $0xb8;
	[tilespmem:$0x15400] =	vst v63  }
0x199: {  	s17 =	sld [smem:$0x7E6]  }
0x19a: {  	[tilespmem:s23], [sflag:$0x1] =	stream.indirect.gather [hbm4b:s15+s10], $0x10, s30, s10, $0xb8;
	[tilespmem:$0x15400] =	vst v63  }
0x19b: {  	s29 =	sld [smem:$0x7CB]  }
0x19c: {  	[tilespmem:s22], [sflag:$0x2] =	stream.indirect.gather [hbm4b:s4+s10], $0x10, s1, s10, $0xb8;
	[tilespmem:$0x15400] =	vst v63  }
0x19d: {  	s30 =	sld [smem:$0x7E8]  }
0x19e: {  	[tilespmem:s21], [sflag:$0x1] =	stream.indirect.gather [hbm4b:s15+s10], $0x10, s3, s10, $0xb8;
	[tilespmem:$0x15400] =	vst v63  }
0x19f: {  	s3 =	sld [smem:$0x7CC]  }
0x1a0: {  	[tilespmem:s20], [sflag:$0x2] =	stream.indirect.gather [hbm4b:s4+s10], $0x10, s5, s10, $0xb8;
	[tilespmem:$0x15400] =	vst v63  }
0x1a1: {  	s5 =	sld [smem:$0x7EA]  }
0x1a2: {  	[tilespmem:s29], [sflag:$0x1] =	stream.indirect.gather [hbm4b:s15+s10], $0x10, s6, s10, $0xb8;
	[tilespmem:$0x15400] =	vst v63  }
0x1a3: {  	s6 =	sld [smem:$0x7CD]  }
0x1a4: {  	[tilespmem:s3], [sflag:$0x2] =	stream.indirect.gather [hbm4b:s4+s10], $0x10, s17, s10, $0xb8;
	[tilespmem:$0x15400] =	vst v63  }
0x1a5: {  	s29 =	sld [smem:$0x7CF]  }
0x1a6: {  	[tilespmem:s6], [sflag:$0x1] =	stream.indirect.gather [hbm4b:s15+s10], $0x10, s30, s10, $0xb8;
	[tilespmem:$0x15400] =	vst v63  }
0x1a7: {  	s17 =	sld [smem:$0x7EC]  }
0x1a8: {  	[tilespmem:s29], [sflag:$0x2] =	stream.indirect.gather [hbm4b:s4+s10], $0x10, s5, s10, $0xb8;
	[tilespmem:$0x15400] =	vst v63  }
0x1a9: {  	s5 =	sld [smem:$0x7D0];
	_ =	sdelay $0x1  }
0x1aa: {  	s30 =	sld [smem:$0x7EE]  }
0x1ab: {  	[tilespmem:s5], [sflag:$0x1] =	stream.indirect.gather [hbm4b:s15+s10], $0x10, s17, s10, $0xb8;
	[tilespmem:$0x15400] =	vst v63  }
0x1ac: {  	s17 =	sld [smem:$0x7D1];
	_ =	sdelay $0x1  }
0x1ad: {  	s6 =	sld [smem:$0x7F0]  }
0x1ae: {  	[tilespmem:s17], [sflag:$0x2] =	stream.indirect.gather [hbm4b:s4+s10], $0x10, s30, s10, $0xb8;
	[tilespmem:$0x15400] =	vst v63  }
0x1af: {  	s30 =	sld [smem:$0x7D2];
	_ =	sdelay $0x1  }
0x1b0: {  	s29 =	sld [smem:$0x7F3]  }
0x1b1: {  	[tilespmem:s30], [sflag:$0x1] =	stream.indirect.gather [hbm4b:s15+s10], $0x10, s6, s10, $0xb8;
	[tilespmem:$0x15400] =	vst v63  }
0x1b2: {  	s6 =	sld [smem:$0x7D3];
	_ =	sdelay $0x1  }
0x1b3: {  	s5 =	sld [smem:$0x7F6]  }
0x1b4: {  	[tilespmem:s6], [sflag:$0x2] =	stream.indirect.gather [hbm4b:s4+s10], $0x10, s29, s10, $0xb8;
	[tilespmem:$0x15400] =	vst v63  }
0x1b5: {  	s29 =	sld [smem:$0x7D4];
	_ =	sdelay $0x1  }
0x1b6: {  	s17 =	sld [smem:$0x7F9]  }
0x1b7: {  	[tilespmem:s29], [sflag:$0x1] =	stream.indirect.gather [hbm4b:s15+s10], $0x10, s5, s10, $0xb8;
	[tilespmem:$0x15400] =	vst v63  }
0x1b8: {  	s5 =	sld [smem:$0x7D5];
	_ =	sdelay $0x1  }
0x1b9: {  	s30 =	sld [smem:$0x7FB]  }
0x1ba: {  	[tilespmem:s5], [sflag:$0x2] =	stream.indirect.gather [hbm4b:s4+s10], $0x10, s17, s10, $0xb8;
	[tilespmem:$0x15400] =	vst v63  }
0x1bb: {  	s17 =	sld [smem:$0x7D6];
	_ =	sdelay $0x1  }
0x1bc: {  	s6 =	sld [smem:$0x7FD]  }
0x1bd: {  	[tilespmem:s17], [sflag:$0x1] =	stream.indirect.gather [hbm4b:s15+s10], $0x10, s30, s10, $0xb8;
	[tilespmem:$0x15400] =	vst v63  }
0x1be: {  	s8 =	simm.s32 $0x13400  }
0x1bf: {  	[tilespmem:s8], [sflag:$0x2] =	stream.indirect.gather [hbm4b:s4+s10], $0x10, s6, s10, $0xb8;
	[tilespmem:$0x15400] =	vst v63  }
0x1c0: {  	s11 =	simm.s32 $0x9C00;
	s9 =	simm.s32 $0x880  }
0x1c1: {  	[tilespmem:s11], [sflag:$0x1] =	stream.indirect.gather [hbm4b:s15+s10], $0x10, s9, s10, $0xb8;
	[tilespmem:$0x15400] =	vst v63  }
0x1c2: {  	s13 =	simm.s32 $0x13C00;
	s12 =	simm.s32 $0x1280  }
0x1c3: {  	[tilespmem:s13], [sflag:$0x2] =	stream.indirect.gather [hbm4b:s4+s10], $0x10, s12, s10, $0xb8;
	[tilespmem:$0x15400] =	vst v63  }
0x1c4: {  	s16 =	simm.s32 $0xA400;
	s14 =	simm.s32 $0x900  }
0x1c5: {  	[tilespmem:s16], [sflag:$0x1] =	stream.indirect.gather [hbm4b:s15+s10], $0x10, s14, s10, $0xb8;
	[tilespmem:$0x15400] =	vst v63  }
0x1c6: {  	s21 =	simm.s32 $0x14400;
	s20 =	simm.s32 $0x1300  }
0x1c7: {  	[tilespmem:s21], [sflag:$0x2] =	stream.indirect.gather [hbm4b:s4+s10], $0x10, s20, s10, $0xb8;
	[tilespmem:$0x15400] =	vst v63  }
0x1c8: {  	s23 =	simm.s32 $0xAC00;
	s22 =	simm.s32 $0x980  }
0x1c9: {  	[tilespmem:s23], [sflag:$0x1] =	stream.indirect.gather [hbm4b:s15+s10], $0x10, s22, s10, $0xb8;
	[tilespmem:$0x15400] =	vst v63  }
0x1ca: {  	s25 =	simm.s32 $0x14C00;
	s24 =	simm.s32 $0x1380  }
0x1cb: {  	[tilespmem:s25], [sflag:$0x2] =	stream.indirect.gather [hbm4b:s4+s10], $0x10, s24, s10, $0xb8;
	[tilespmem:$0x15400] =	vst v63  }
0x1cc: {  	s2 =	sld [smem:$0x7CE];
	_ =	swait.ge [sflag:s26], $0x800  }
0x1cd: {  	[sflag:s26] =	ssyncset.done $0x0  }
0x1ce: {  	[sflag:s26] =	ssyncadd.s32 $0xFFFFF800  }
0x1cf: {  	_ =	swait.ge [sflag:s26], $0x800  }
0x1d0: {  	[sflag:s26] =	ssyncset.done $0x0  }
0x1d1: {  	[sflag:s26] =	ssyncadd.s32 $0xFFFFF800  }
0x1d2: {  	_ =	swait.ge [sflag:s26], $0x800  }
0x1d3: {  	[sflag:s26] =	ssyncset.done $0x0  }
0x1d4: {  	[sflag:s26] =	ssyncadd.s32 $0xFFFFF800  }
0x1d5: {  	_ =	swait.ge [sflag:s26], $0x800  }
0x1d6: {  	[sflag:s26] =	ssyncset.done $0x0  }
0x1d7: {  	[sflag:s26] =	ssyncadd.s32 $0xFFFFF800  }
0x1d8: {  	_ =	swait.ge [sflag:s26], $0x800  }
0x1d9: {  	[sflag:s26] =	ssyncset.done $0x0  }
0x1da: {  	[sflag:s26] =	ssyncadd.s32 $0xFFFFF800  }
0x1db: {  	_ =	swait.ge [sflag:s26], $0x800  }
0x1dc: {  	[sflag:s26] =	ssyncset.done $0x0  }
0x1dd: {  	[sflag:s26] =	ssyncadd.s32 $0xFFFFF800  }
0x1de: {  	_ =	swait.ge [sflag:s26], $0x800  }
0x1df: {  	[sflag:s26] =	ssyncset.done $0x0  }
0x1e0: {  	[sflag:s26] =	ssyncadd.s32 $0xFFFFF800  }
0x1e1: {  	_ =	swait.ge [sflag:s26], $0x800  }
0x1e2: {  	[sflag:s26] =	ssyncset.done $0x0  }
0x1e3: {  	[sflag:s26] =	ssyncadd.s32 $0xFFFFF800  }
0x1e4: {  	_ =	swait.ge [sflag:s26], $0x800  }
0x1e5: {  	[sflag:s26] =	ssyncset.done $0x0  }
0x1e6: {  	[sflag:s26] =	ssyncadd.s32 $0xFFFFF800  }
0x1e7: {  	_ =	swait.ge [sflag:s26], $0x800  }
0x1e8: {  	[sflag:s26] =	ssyncset.done $0x0  }
0x1e9: {  	[sflag:s26] =	ssyncadd.s32 $0xFFFFF800  }
0x1ea: {  	_ =	swait.ge [sflag:s26], $0x800  }
0x1eb: {  	[sflag:s26] =	ssyncset.done $0x0  }
0x1ec: {  	[sflag:s26] =	ssyncadd.s32 $0xFFFFF800  }
0x1ed: {  	_ =	swait.ge [sflag:s26], $0x800  }
0x1ee: {  	[sflag:s26] =	ssyncset.done $0x0  }
0x1ef: {  	[sflag:s26] =	ssyncadd.s32 $0xFFFFF800  }
0x1f0: {  	_ =	swait.ge [sflag:s26], $0x800  }
0x1f1: {  	[sflag:s26] =	ssyncset.done $0x0  }
0x1f2: {  	[sflag:s26] =	ssyncadd.s32 $0xFFFFF800  }
0x1f3: {  	_ =	swait.ge [sflag:s26], $0x800  }
0x1f4: {  	[sflag:s26] =	ssyncset.done $0x0  }
0x1f5: {  	[sflag:s26] =	ssyncadd.s32 $0xFFFFF800  }
0x1f6: {  	_ =	swait.ge [sflag:s26], $0x800  }
0x1f7: {  	[sflag:s26] =	ssyncset.done $0x0  }
0x1f8: {  	[sflag:s26] =	ssyncadd.s32 $0xFFFFF800  }
0x1f9: {  	_ =	swait.ge [sflag:s26], $0x800  }
0x1fa: {  	[sflag:s26] =	ssyncset.done $0x0  }
0x1fb: {  	[sflag:s26] =	ssyncadd.s32 $0xFFFFF800  }
0x1fc: {  	_ =	swait.ge [sflag:s26], $0x800  }
0x1fd: {  	[sflag:s26] =	ssyncset.done $0x0  }
0x1fe: {  	[sflag:s26] =	ssyncadd.s32 $0xFFFFF800  }
0x1ff: {  	_ =	swait.ge [sflag:s26], $0x800  }
0x200: {  	[sflag:s26] =	ssyncset.done $0x0  }
0x201: {  	[sflag:s26] =	ssyncadd.s32 $0xFFFFF800  }
0x202: {  	_ =	swait.ge [sflag:s26], $0x800  }
0x203: {  	[sflag:s26] =	ssyncset.done $0x0  }
0x204: {  	[sflag:s26] =	ssyncadd.s32 $0xFFFFF800  }
0x205: {  	_ =	swait.ge [sflag:s26], $0x800  }
0x206: {  	s7 =	sadd.s32 $0x1400, s7;
	[sflag:s26] =	ssyncset.done $0x0  }
0x207: {  	s29 =	simm.s32 $0x0;
	s30 =	simm.s32 $0x1400;
	[sflag:s26] =	ssyncadd.s32 $0xFFFFF800  }
0x208: {  	[hbm4b:s7+s29] =	stream.linear.scatter [tilespmem:s30], [sflag:$0x3], $0xA000, $0x38;
	[tilespmem:$0x15400] =	vst v63  }
0x209: {  	_ =	swait.ge [sflag:s18], $0xA000  }
0x20a: {  	[sflag:s18] =	ssyncset.done $0x0  }
0x20b: {  	[sflag:s18] =	ssyncadd.s32 $0xFFFF6000  }
0x20c: {  	_ =	swait.ge [sflag:s28], $0x800  }
0x20d: {  	[sflag:s28] =	ssyncset.done $0x0  }
0x20e: {  	[sflag:s28] =	ssyncadd.s32 $0xFFFFF800  }
0x20f: {  	_ =	swait.ge [sflag:s28], $0x800  }
0x210: {  	[sflag:s28] =	ssyncset.done $0x0  }
0x211: {  	[sflag:s28] =	ssyncadd.s32 $0xFFFFF800  }
0x212: {  	_ =	swait.ge [sflag:s28], $0x800  }
0x213: {  	[sflag:s28] =	ssyncset.done $0x0  }
0x214: {  	[sflag:s28] =	ssyncadd.s32 $0xFFFFF800  }
0x215: {  	_ =	swait.ge [sflag:s28], $0x800  }
0x216: {  	[sflag:s28] =	ssyncset.done $0x0  }
0x217: {  	[sflag:s28] =	ssyncadd.s32 $0xFFFFF800  }
0x218: {  	_ =	swait.ge [sflag:s28], $0x800  }
0x219: {  	[sflag:s28] =	ssyncset.done $0x0  }
0x21a: {  	[sflag:s28] =	ssyncadd.s32 $0xFFFFF800  }
0x21b: {  	_ =	swait.ge [sflag:s28], $0x800  }
0x21c: {  	[sflag:s28] =	ssyncset.done $0x0  }
0x21d: {  	[sflag:s28] =	ssyncadd.s32 $0xFFFFF800  }
0x21e: {  	_ =	swait.ge [sflag:s28], $0x800  }
0x21f: {  	[sflag:s28] =	ssyncset.done $0x0  }
0x220: {  	[sflag:s28] =	ssyncadd.s32 $0xFFFFF800  }
0x221: {  	_ =	swait.ge [sflag:s28], $0x800  }
0x222: {  	[sflag:s28] =	ssyncset.done $0x0  }
0x223: {  	[sflag:s28] =	ssyncadd.s32 $0xFFFFF800  }
0x224: {  	_ =	swait.ge [sflag:s28], $0x800  }
0x225: {  	[sflag:s28] =	ssyncset.done $0x0  }
0x226: {  	[sflag:s28] =	ssyncadd.s32 $0xFFFFF800  }
0x227: {  	_ =	swait.ge [sflag:s28], $0x800  }
0x228: {  	p0 =	sne.s32 s31, $0xB40;
	[sflag:s28] =	ssyncset.done $0x0  }
.Ltmp0:
0x229: {  	[sflag:s28] =	ssyncadd.s32 $0xFFFFF800;
	(pc) =	sbr.rel @p0 .LBB2_2-.Ltmp0, $4  }
0x22a: {  	_ =	swait.ge [sflag:s28], $0x800  }
0x22b: {  	[sflag:s28] =	ssyncset.done $0x0  }
0x22c: {  	s31 =	sadd.s32 $0x140, s31;
	[sflag:s28] =	ssyncadd.s32 $0xFFFFF800  }
0x22d: {  	s0 =	simm.s32 $0x0;
	s17 =	simm.s32 $0x1400;
	_ =	swait.ge [sflag:s28], $0x800  }
0x22e: {  	[sflag:s28] =	ssyncset.done $0x0  }
0x22f: {  	[sflag:s28] =	ssyncadd.s32 $0xFFFFF800  }
0x230: {  	_ =	swait.ge [sflag:s28], $0x800  }
0x231: {  	[sflag:s28] =	ssyncset.done $0x0  }
0x232: {  	[sflag:s28] =	ssyncadd.s32 $0xFFFFF800  }
0x233: {  	_ =	swait.ge [sflag:s28], $0x800  }
0x234: {  	[sflag:s28] =	ssyncset.done $0x0  }
0x235: {  	[sflag:s28] =	ssyncadd.s32 $0xFFFFF800  }
0x236: {  	_ =	swait.ge [sflag:s28], $0x800  }
0x237: {  	[sflag:s28] =	ssyncset.done $0x0  }
0x238: {  	[sflag:s28] =	ssyncadd.s32 $0xFFFFF800  }
0x239: {  	_ =	swait.ge [sflag:s28], $0x800  }
0x23a: {  	[sflag:s28] =	ssyncset.done $0x0  }
0x23b: {  	[sflag:s28] =	ssyncadd.s32 $0xFFFFF800  }
0x23c: {  	_ =	swait.ge [sflag:s28], $0x800  }
0x23d: {  	[sflag:s28] =	ssyncset.done $0x0  }
0x23e: {  	[sflag:s28] =	ssyncadd.s32 $0xFFFFF800  }
0x23f: {  	_ =	swait.ge [sflag:s28], $0x800  }
0x240: {  	[sflag:s28] =	ssyncset.done $0x0  }
0x241: {  	[sflag:s28] =	ssyncadd.s32 $0xFFFFF800  }
0x242: {  	_ =	swait.ge [sflag:s28], $0x800  }
0x243: {  	[sflag:s28] =	ssyncset.done $0x0  }
0x244: {  	[sflag:s28] =	ssyncadd.s32 $0xFFFFF800  }
0x245: {  	_ =	swait.ge [sflag:s28], $0x800  }
0x246: {  	[sflag:s28] =	ssyncset.done $0x0  }
0x247: {  	s1 =	simm.s32 $0xB400;
	s29 =	simm.s32 $0x3;
	[sflag:s28] =	ssyncadd.s32 $0xFFFFF800  }
0x248: {  	[hbm4b:s2+s0] =	stream.linear.scatter [tilespmem:s1], [sflag:$0x3], $0xA000, $0x38;
	[tilespmem:$0x15400] =	vst v63  }
0x249: {  	_ =	swait.ge [sflag:s29], $0xA000  }
0x24a: {  	s30 =	sld [smem:$0x7D7]  }
0x24b: {  	s31 =	sld [smem:$0x7F2];
	_ =	sdelay $0x1  }
0x24c: {  	s2 =	sadd.s32 $0x1, s30  }
0x24d: {  	p0 =	sne.s32 s2, s31  }
.Ltmp1:
0x24e: {  	_ = 	snop;
	(pc) =	sbr.rel @p0 .LBB2_1-.Ltmp1, $3  }
0x24f: {  	_ =	sdelay $0x1  }
0x250: {  	[sflag:s29] =	ssyncset.done $0x0  }
0x251: {  	[sflag:s29] =	ssyncadd.s32 $0xFFFF6000  }
0x252: {  	_ =	sfence.sel $0x180000  }
0x253: {  	[bflag:$0x0] =	sbarrier.arrive $0xFFFF  }
0x254: {  	_ =	strace $0x90000047  }
0x255: {  	s0 =	stileid.u32;
	[bflag:$0x2] =	sbarrier.arrive $0xFFFF  }
0x256: {  	p0 =	sne.s32 s0, $0x0;
	s0 =	rddreg [dreg:$0x2]  }
0x257: {  	s0 =	sadd.s32 @!p0 $0x100000, s0  }
0x258: {  	[sflag:s0] =	ssyncadd.tile.s32 @!p0 $0x1;
	_ =	shalt  }
.Lfunc_end2:
_tile_overlayer_lowered:
.L_overlay_start_2:
0x259: {  	(tag) =	ssettag $0x2  }
0x25a: {  	s0 =	rddreg [dreg:$0x0];
	s2 =	stileid.u32  }
0x25b: {  	s1 =	rddreg [dreg:$0x1];
	p0 =	sne.s32 s2, $0x0  }
0x25c: {  	s3 =	rddreg [dreg:$0x2];
	[bflag:$0x3] =	sbarrier.arrive $0xFFFF;
	s2 =	simm.s32 @!p0 $0x1C03  }
0x25d: {  	[timem:s3], [sflag:s2] =	dma.local @!p0 [hbm:s0], s1  }
0x25e: {  	s0 =	simm.s32 @!p0 $0x3  }
0x25f: {  	_ =	swait.ge @!p0 [sflag:s0], s1  }
0x260: {  	s1 =	ssub.s32 @!p0 $0x0, s1;
	[sflag:s0] =	ssyncset.done @!p0 $0x0  }
0x261: {  	[sflag:s0] =	ssyncadd.s32 @!p0 s1  }
0x262: {  	[bflag:$0x3] =	sbarrier.arrive $0xFFFF  }
0x263: {  	_ =	shalt  }

// kernel: sparse-core-data-format-call.cloned.1.call-start
scs
called_computation_lowered:
.L_overlay_start_0:
0x0: {  	s2 =	sld [smem:$0x3FD9]  }
0x1: {  	s3 =	sld [smem:$0x3FFE];
	_ =	sdelay $0x1  }
0x2: {  	s1 =	srdreg.scid  }
0x3: {  	s0 =	sand.u32 $0x1, s1  }
0x4: {  	s18 =	sshll.u32 s0, $0xA;
	s2 =	sadd.s32 s3, s2  }
0x5: {  	s2 =	sadd.s32 s2, s18  }
0x6: {  	[smem:$0x3FC3] =	sst s2  }
0x7: {  	_ = 	snop  }
0x8: {  	s2 =	sld [smem:$0x3FD0];
	(tm) =	ssettm $0x1  }
0x9: {  	s19 =	sld [smem:$0x3FFB];
	_ =	sdelay $0x3  }
0xa: {  	_ =	strace s19  }
0xb: {  	s3 =	sld [smem:$0x3FFC];
	_ =	sdelay $0x3  }
0xc: {  	_ =	strace s3  }
0xd: {  	s3 =	sld [smem:$0x3FFD];
	_ =	sdelay $0x3  }
0xe: {  	_ =	strace s3  }
0xf: {  	_ =	strace $0x8FFFFFFF  }
0x10: {  	s20 =	sld [smem:$0x3FDB];
	_ =	sdelay $0x1  }
0x11: {  	s4 =	simm.s32 $_scs_section_size  }
0x12: {  	s5 =	simm.s32 $_size__tile_overlayer_lowered;
	s6 =	simm.s32 $_tile_overlayer_lowered  }
0x13: {  	s23 =	simm.s32 $0x1BFF;
	s22 =	sshll.u32 s6, $0x1;
	s3 =	sadd.s32 s4, s20  }
0x14: {  	s7 =	simm.s32 $0x0;
	s21 =	sshll.u32 s5, $0x1;
	s5 =	sadd.s32 s22, s3  }
0x15: {  	[timem:s7], [sflag:s23] =	dma.local [hbm:s5], s21  }
0x16: {  	_ =	swait.ge [sflag:s23], s21  }
0x17: {  	s4 =	ssub.s32 $0x0, s21;
	[sflag:s23] =	ssyncset.done $0x0  }
0x18: {  	[sflag:s23] =	ssyncadd.s32 s4;
	_ =	sdelay $0x1  }
0x19: {  	s24 =	simm.s32 $0x1B8B  }
0x1a: {  	_ =	swait.ge [sflag:s24], $0x1  }
0x1b: {  	[sflag:s24] =	ssyncset.done $0x0  }
0x1c: {  	s26 =	simm.s32 $0x1B8E;
	s25 =	sld [smem:$0x3FFE];
	[sflag:s24] =	ssyncadd.s32 $0xFFFFFFFF  }
0x1d: {  	s27 =	simm.s32 $execute0_lowered;
	[smem:$0x3FD2] =	sst s26  }
0x1e: {  	s5 =	sshll.u32 s27, $0x1;
	_ =	strace $0x80000049;
	[dreg:$0x1] =	wrdreg $0xFFFFFFFF  }
0x1f: {  	s28 =	simm.s32 $_size_execute0_lowered;
	s3 =	sadd.s32 s3, s5;
	[dreg:$0x0] =	wrdreg $0x0  }
0x20: {  	s5 =	sshll.u32 s28, $0x1;
	[dreg:$0x2] =	wrdreg s3  }
0x21: {  	[dreg:$0x3] =	wrdreg s5  }
0x22: {  	[dreg:$0x4] =	wrdreg $0xC0  }
0x23: {  	_ =	task [dreg:s7], $0x5FFFF  }
0x24: {  	[dreg:$0x1] =	wrdreg $0xFFFFFFFF  }
0x25: {  	[dreg:$0x0] =	wrdreg $0x60  }
0x26: {  	[dreg:$0x2] =	wrdreg s25  }
0x27: {  	[dreg:$0x3] =	wrdreg s2  }
0x28: {  	[dreg:$0x4] =	wrdreg $0x9  }
0x29: {  	_ =	task.clear_ibuf [dreg:s7], $0x5FFFF;
	_ =	strace $0x90000049  }
0x2a: {  	s29 =	simm.s32 $0x9;
	_ =	strace $0x8000004B  }
0x2b: {  	_ =	swait.ge [sflag:s29], $0x1  }
0x2c: {  	[sflag:s29] =	ssyncadd.s32 $0xFFFFFFFF  }
0x2d: {  	_ =	strace $0x9000004B  }
0x2e: {  	_ =	sfence  }
0x2f: {  	s30 =	sld [smem:$0x0];
	_ =	sdelay $0x2  }
0x30: {  	s31 =	sshll.u32 s1, $0xD;
	s1 =	sshrl.u32 s1, $0x2  }
0x31: {  	s3 =	sand.u32 $0x4000, s31;
	s1 =	sadd.s32 s1, s30  }
0x32: {  	s0 =	sor.u32 s3, s0;
	s1 =	sshll.u32 s1, $0x11  }
0x33: {  	s0 =	sor.u32 s1, s0  }
0x34: {  	s0 =	sadd.s32 $0x8F2B, s0  }
0x35: {  	[sflag:s0] =	ssyncadd.remote.s32 $0x1  }
0x36: {  	_ =	sfence.sel $0xFFFF  }
0x37: {  	[dreg:$0x0] =	wrdreg $0xFFFFFFFF;
	(pc) =	sbr.abs _section_cstart, $3  }
0x38: {  	[dreg:$0x1] =	wrdreg $0xFFFFFFFF  }
0x39: {  	_ =	task.clear_ibuf [dreg:s7], $0x2FFFF;
	_ =	strace $0x9FFFFFFF  }
0x3a: {  	(tm) =	ssettm $0x7FFFFFFF  }
0x3b: {  	_ =	shalt  }
tec
execute0_lowered:
.L_overlay_start_1:
0x0: {  	(tag) =	ssettag $0x1  }
0x1: {  	s0 =	srdreg.scid  }
0x2: {  	s1 =	sshll.u32 s0, $0x4  }
0x3: {  	s5 =	rddreg [dreg:$0x0];
	s0 =	stileid.u32;
	s1 =	sand.u32 $0x10, s1  }
0x4: {  	s3 =	rddreg [dreg:$0x1];
	s31 =	simm.s32 $0x2;
	s4 =	sor.u32 s0, s1  }
0x5: {  	s13 =	simm.s32 $0x0;
	s9 =	simm.s32 $0x400;
	s2 =	sshll.u32 s4, $0x7  }
0x6: {  	s10 =	simm.s32 $0x8000;
	s14 =	simm.s32 $0x0;
	s6 =	ssub.s32 $0x1000, s2  }
0x7: {  	s1 =	rddreg [dreg:$0x2];
	_ =	strace $0x8000004A;
	s7 =	sand.u32 $0xF80, s6  }
0x8: {  	s4 =	sshll.u32 s4, $0xB;
	p0 =	sne.s32 s7, $0x0;
	s7 =	simm.s32 $0x1  }
.Ltmp0:
0x9: {  	s6 =	sshrl.u32 s6, $0xC;
	s7 =	simm.s32 @!p0 $0x0;
	(pc) =	sbr.rel .LBB1_1-.Ltmp0, $4  }
0xa: {  	s8 =	sadd.s32 s4, s5;
	s4 =	simm.s32 $0x1;
	s30 =	sadd.s32 s7, s6  }
0xb: {  	s11 =	simm.s32 $0x0;
	[sflag:s4] =	ssyncpa.u1 $0x0;
	s5 =	smul.u32 $0x64, s30  }
0xc: {  	s12 =	simm.s32 $0x0;
	[sflag:s31] =	ssyncpa.u1 $0x0;
	p0 =	por $0x0, $0x0  }
0xd: {  	s6 =	sadd.s32 $0x2000, s8;
	s7 =	sadd.s32 $0x12000, s8;
	s8 =	sor.u32 $0x1, s5  }
.LBB1_7:
0xe: {  	s15 =	sadd.s32 $0x2, s11  }
0xf: {  	p2 =	sgt.s32 s15, $0xC7  }
0x10: {  	s15 =	simm.s32 @p2 $0x0;
	p2 =	sne.s32 s12, s8  }
.Ltmp1:
0x11: {  	p1 =	slt.u32 s12, $0x2;
	(pc) =	sbr.rel @!p2 .LBB1_8-.Ltmp1, $4  }
0x12: {  	s13 =	simm.s32 @!p1 $0x2  }
0x13: {  	s16 =	sadd.s32 $0x1, s12;
	s14 =	smov.u32 s11;
	_ =	swait.ge @!p1 [sflag:s13], $0x4000  }
0x14: {  	p0 =	por !p0, !p0;
	s12 =	smov.u32 s16;
	[sflag:s13] =	ssyncset.done @!p1 $0x0  }
0x15: {  	s11 =	smov.u32 s15;
	[sflag:s13] =	ssyncadd.s32 @!p1 $0xFFFFC000;
	s13 =	smov.u32 s2  }
.LBB1_1:
0x16: {  	p1 =	sge.u32 s12, s5  }
0x17: {  	s15 =	sxor.u32 @!p1 $0xFFFFFFFF, s12  }
0x18: {  	s16 =	sshll.u32 @!p1 s11, $0x10;
	s18 =	simm.s32 @!p1 $0x40;
	s15 =	sshll.u32 @!p1 s15, $0xE  }
0x19: {  	s19 =	simm.s32 @!p1 $0x80;
	s17 =	sadd.s32 @!p1 s16, s6;
	s15 =	sand.u32 @!p1 $0x4000, s15  }
0x1a: {  	[tilespmem:s15], [sflag:$0x1] =	stream.strided.gather @!p1 [hbm4b:s17+s18], $0x2000, s19, s18, $0x38;
	[tilespmem:$0x10100] =	vst v63  }
0x1b: {  	s31 =	sadd.s32 $0xFFFFFFFF, s12;
	s16 =	sadd.s32 @!p1 s16, s7;
	s15 =	sor.u32 @!p1 $0x2000, s15  }
0x1c: {  	[tilespmem:s15], [sflag:$0x1] =	stream.strided.gather @!p1 [hbm4b:s16+s18], $0x2000, s19, s18, $0x38;
	[tilespmem:$0x10100] =	vst v63  }
0x1d: {  	p1 =	sge.u32 s31, s5  }
.Ltmp2:
0x1e: {  	_ = 	snop;
	(pc) =	sbr.rel @p1 .LBB1_7-.Ltmp2, $1  }
0x1f: {  	_ =	sdelay $0x3  }
0x20: {  	s15 =	simm.s32 $0x1;
	s17 =	sand.u32 $0x1, s12  }
0x21: {  	_ =	swait.ge [sflag:s4], $0x4000;
	s15 =	simm.s32 @!p0 $0x0;
	s17 =	smul.u32 $0x10200, s17  }
0x22: {  	p2 =	por $0x1, $0x1;
	[sflag:s4] =	ssyncset.done $0x0;
	s16 =	smul.u32 $0x10200, s15  }
0x23: {  	s18 =	sshll.u32 s15, $0x10;
	[sflag:s4] =	ssyncadd.s32 $0xFFFFC000;
	s30 =	sshrl.u32 s17, $0x2  }
0x24: {  	s31 =	sshrl.u32 s18, $0x2;
	s18 =	simm.s32 $0x0;
	s16 =	sshrl.u32 s16, $0x2  }
0x25: {  	s15 =	sor.u32 $0x8000, s30;
	s17 =	sadd.s32 $0x20, s31;
	s16 =	sor.u32 $0x8000, s16  }
.LBB1_3:
0x26: {  	s19 =	sshll.u32 s18, $0xD  }
0x27: {  	s19 =	sand.u32 $0x3FFFE000, s19  }
0x28: {  	s21 =	sadd.s32 s19, s17  }
0x29: {  	s31 =	smul.u32 $0x8100, s18;
	v3 =	vld [tilespmem:s21+$0x10]  }
0x2a: {  	v1 =	vld [tilespmem:s21+$0xFFFFFFF0]  }
0x2b: {  	s18 =	sshra.s32 s31, $0x2;
	v0 =	vld [tilespmem:s21+$0x0]  }
0x2c: {  	s18 =	sadd.s32 s18, s16;
	v2 =	vld [tilespmem:s21+$0xFFFFFFE0]  }
0x2d: {  	s19 =	sadd.s32 $0x0, s18  }
0x2e: {  	p1 =	por p2, p2;
	s20 =	simm.s32 $0x4;
	s21 =	sadd.s32 $0x40, s21;
	[tilespmem:s19+$0x1830 ss:$0x81] =	vst.msk $0xffff, v3  }
.LBB1_4:
0x2f: {  	v3 =	vld [tilespmem:s21+$0x10];
	p2 =	sne.s32 s20, $0x1FC;
	[tilespmem:s19+$0x810 ss:$0x81] =	vst.msk $0xffff, v1;
	s22 =	smov.u32 s20;
	s20 =	sadd.s32 $0x4, s20  }
.Ltmp3:
0x30: {  	v1 =	vld [tilespmem:s21+$0xFFFFFFF0];
	[tilespmem:s19+$0x1020 ss:$0x81] =	vst.msk $0xffff, v0;
	(pc) =	sbr.rel @p2 .LBB1_4-.Ltmp3, $4  }
0x31: {  	v0 =	vld [tilespmem:s21+$0x0];
	[tilespmem:s19+$0x0 ss:$0x81] =	vst.msk $0xffff, v2  }
0x32: {  	s19 =	sshra.s32 s22, $0x2;
	v2 =	vld [tilespmem:s21+$0xFFFFFFE0]  }
0x33: {  	s19 =	sadd.s32 s19, s18  }
0x34: {  	s21 =	sadd.s32 $0x40, s21;
	[tilespmem:s19+$0x1830 ss:$0x81] =	vst.msk $0xffff, v3  }
.Ltmp4:
0x35: {  	(pc) =	sbr.rel @p1 .LBB1_3-.Ltmp4, $4  }
0x36: {  	_ = 	snop  }
0x37: {  	[tilespmem:s19+$0x810 ss:$0x81] =	vst.msk $0xffff, v1  }
0x38: {  	[tilespmem:s19+$0x1020 ss:$0x81] =	vst.msk $0xffff, v0  }
0x39: {  	s18 =	simm.s32 $0x1;
	p2 =	por $0x0, $0x0;
	[tilespmem:s19+$0x0 ss:$0x81] =	vst.msk $0xffff, v2  }
.Ltmp5:
0x3a: {  	(pc) =	sbr.rel .LBB1_7-.Ltmp5, $4  }
0x3b: {  	s14 =	sshll.u32 s14, $0xF  }
0x3c: {  	s14 =	sadd.s32 s3, s14  }
0x3d: {  	s13 =	sadd.s32 s13, s14  }
0x3e: {  	[hbm4b:s13+s9] =	stream.strided.scatter [tilespmem:s15], [sflag:$0x2], $0x4000, s10, s9, $0x20;
	[tilespmem:$0x10100] =	vst v63  }
.LBB1_8:
0x3f: {  	_ =	sfence.sel $0x180000  }
0x40: {  	s2 =	simm.s32 $0x1;
	[bflag:$0x0] =	sbarrier.arrive $0xFFFF  }
0x41: {  	s31 =	simm.s32 $0x2;
	[sflag:s2] =	ssyncpa.u1 $0x1  }
0x42: {  	[sflag:s31] =	ssyncpa.u1 $0x1  }
0x43: {  	p0 =	sne.s32 s0, $0x0;
	_ =	strace $0x9000004A  }
0x44: {  	s0 =	sadd.s32 @!p0 $0x100000, s1;
	[bflag:$0x2] =	sbarrier.arrive $0xFFFF  }
0x45: {  	[sflag:s0] =	ssyncadd.tile.s32 @!p0 $0x1;
	_ =	shalt  }
.Lfunc_end1:
_tile_overlayer_lowered:
.L_overlay_start_2:
0x46: {  	(tag) =	ssettag $0x2  }
0x47: {  	s0 =	rddreg [dreg:$0x0];
	s2 =	stileid.u32  }
0x48: {  	s1 =	rddreg [dreg:$0x1];
	p0 =	sne.s32 s2, $0x0  }
0x49: {  	s3 =	rddreg [dreg:$0x2];
	[bflag:$0x3] =	sbarrier.arrive $0xFFFF;
	s2 =	simm.s32 @!p0 $0x1C01  }
0x4a: {  	[timem:s3], [sflag:s2] =	dma.local @!p0 [hbm:s0], s1  }
0x4b: {  	s0 =	simm.s32 @!p0 $0x1  }
0x4c: {  	_ =	swait.ge @!p0 [sflag:s0], s1  }
0x4d: {  	s1 =	ssub.s32 @!p0 $0x0, s1;
	[sflag:s0] =	ssyncset.done @!p0 $0x0  }
0x4e: {  	[sflag:s0] =	ssyncadd.s32 @!p0 s1  }
0x4f: {  	[bflag:$0x3] =	sbarrier.arrive $0xFFFF  }
0x50: {  	_ =	shalt  }

</sc_bundles>
